<compile_context>
chip_gen: v7x
topology: tpu7x:2x2x1
jax: 0.10.2.dev20260603
libtpu: 0.0.44.dev20260713+nightly
codegen_flags: <defaults>
</compile_context>

<pallas_src>
import functools

import jax
import jax.numpy as jnp
from jax import lax
from jax.experimental import pallas as pl
from jax.experimental.pallas import tpu as pltpu
from jax.experimental.pallas import tpu_sc as plsc

_NC = 2
_NS = 16
_NW = _NC * _NS

_NBUF = 4
_K = 2
_DP = 128


@functools.lru_cache(maxsize=None)
def _make_gather(B, L, D):
    b_per_w = B // _NW
    n_idx = b_per_w * L
    assert 128 < L <= 256 and L % 8 == 0
    assert b_per_w % _NBUF == 0 and b_per_w > _NBUF

    mesh = plsc.VectorSubcoreMesh(core_axis_name="c", subcore_axis_name="s")

    @functools.partial(
        pl.kernel,
        out_type=jax.ShapeDtypeStruct((B, L, _DP), jnp.float32),
        mesh=mesh,
        compiler_params=pltpu.CompilerParams(use_tc_tiling_on_sc=True),
        scratch_types=[
            pltpu.VMEM((n_idx,), jnp.int32),
            pltpu.VMEM((_NBUF, L, _DP), jnp.float32),
            [pltpu.SemaphoreType.DMA] * _NBUF,
            [pltpu.SemaphoreType.DMA] * _NBUF,
        ],
    )
    def gather(idx_hbm, table_hbm, out_hbm, idx_v, rows_v, gsems, wsems):
        wid = lax.axis_index("s") * _NC + lax.axis_index("c")
        base = wid * b_per_w
        pltpu.sync_copy(idx_hbm.at[wid], idx_v)

        def fire(g, buf):
            for off, sz in ((0, 128), (128, L - 128)):
                pltpu.async_copy(
                    table_hbm.at[idx_v.at[pl.ds(g * L + off, sz)]],
                    rows_v.at[buf, pl.ds(off, sz)],
                    gsems[buf],
                )

        def drain_gather(buf):
            pltpu.make_async_copy(
                table_hbm.at[pl.ds(0, L)],
                rows_v.at[buf],
                gsems[buf],
            ).wait()

        def write(g, buf):
            pltpu.async_copy(
                rows_v.at[buf],
                out_hbm.at[base + g],
                wsems[buf],
            )

        def drain_write(buf):
            pltpu.make_async_copy(
                rows_v.at[buf],
                out_hbm.at[base],
                wsems[buf],
            ).wait()

        for g in range(_K):
            fire(g, g % _NBUF)

        def outer(gg, carry):
            for b in range(_NBUF):
                g = gg * _NBUF + b
                fb = (b + _K) % _NBUF

                @pl.when(g + _K < b_per_w)
                def _():
                    @pl.when(g + _K >= _NBUF)
                    def _():
                        drain_write(fb)

                    fire(g + _K, fb)

                drain_gather(b)
                write(g, b)
            return carry

        lax.fori_loop(0, b_per_w // _NBUF, outer, 0)
        for b in range(_NBUF):
            drain_write(b)

    return gather


def kernel(indices, table):
    B, L = indices.shape
    V, D = table.shape
    idx = indices.astype(jnp.int32).reshape(_NW, (B // _NW) * L)
    tablep = jnp.pad(table, ((0, 0), (0, _DP - D)))
    out = _make_gather(B, L, D)(idx, tablep)
    return out[:, :, :D]

# --- scband reference (transcript-rebuilt; emitter-appended) ---
"""Pipeline reference for scband-text-encoder-2259152798121 (READ-ONLY COPY).

The authoritative reference and input builder live on the scoring server;
editing this copy changes nothing except your own understanding.
"""

import jax, jax.numpy as jnp
import numpy as np

VOCAB = 100000
DIM = 64
B = 4096
L = 200
PAD_IDX = 0  # SPECIAL_TOKENS['<NULL>']


def setup_inputs(seed: int = 0) -> dict:
    key = jax.random.key(seed)
    k_idx, k_tab = jax.random.split(key)
    indices = jax.random.randint(k_idx, (B, L), 0, VOCAB, dtype=jnp.int64)
    table = jax.random.normal(k_tab, (VOCAB, DIM), dtype=jnp.float32)
    # nn.Embedding with padding_idx=0 initializes the padding row to zeros
    table = table.at[PAD_IDX].set(0.0)
    return {"indices": indices, "table": table}


def reference(indices, table):
    # TextEncoder.get_embeddings / forward: self.embedding(indices)
    return jnp.take(table, indices, axis=0)

if __name__ == "__main__":
    import jax
    _d = setup_inputs()
    print(jax.jit(kernel)(*tuple(_d.values())))

</pallas_src>

<mosaic_0001>
#map = affine_map<(d0, d1) -> (0, 0)>
#map1 = affine_map<(d0, d1) -> (0, 0, 0)>
module attributes {stable_mosaic.version = 14 : i64} {
  func.func @gather(%arg0: i32, %arg1: i32, %arg2: memref<32x25600xi32, #tpu.memory_space<hbm>>, %arg3: memref<100000x128xf32, #tpu.memory_space<hbm>>, %arg4: memref<4096x200x128xf32, #tpu.memory_space<hbm>>, %arg5: memref<25600xi32, #tpu.memory_space<vmem>>, %arg6: memref<4x200x128xf32, #tpu.memory_space<vmem>>, %arg7: memref<!tpu.dma_semaphore, #tpu.memory_space<semaphore_mem>>, %arg8: memref<!tpu.dma_semaphore, #tpu.memory_space<semaphore_mem>>, %arg9: memref<!tpu.dma_semaphore, #tpu.memory_space<semaphore_mem>>, %arg10: memref<!tpu.dma_semaphore, #tpu.memory_space<semaphore_mem>>, %arg11: memref<!tpu.dma_semaphore, #tpu.memory_space<semaphore_mem>>, %arg12: memref<!tpu.dma_semaphore, #tpu.memory_space<semaphore_mem>>, %arg13: memref<!tpu.dma_semaphore, #tpu.memory_space<semaphore_mem>>, %arg14: memref<!tpu.dma_semaphore, #tpu.memory_space<semaphore_mem>>) attributes {dimension_semantics = [#tpu.dimension_semantics<core_parallel>, #tpu.dimension_semantics<subcore_parallel>], iteration_bounds = array<i64: 2, 16>, scalar_prefetch = 0 : i64, scratch_operands = 10 : i64, tpu.core_type = #tpu.core_type<sc_vector_subcore>, window_params = [{transform_indices = #map}, {transform_indices = #map}, {transform_indices = #map1}]} {
    %mul3A = arith.constant 2 : i32
    %mul3A_0 = arith.muli %arg1, %mul3A : i32
    %add3A = arith.addi %mul3A_0, %arg0 : i32
    %mul3A_1 = arith.constant 128 : i32
    %mul3A_2 = arith.muli %add3A, %mul3A_1 : i32
    "tpu.region"() ({
      %run_scoped3A = tpu.sem_alloc : memref<!tpu.dma_semaphore, #tpu.memory_space<semaphore_mem>>
      %dma_start3A_114 = arith.constant 0 : i32
      %dma_start3A_115 = tpu.memref_slice %arg2[%add3A, %dma_start3A_114] : memref<32x25600xi32, #tpu.memory_space<hbm>> -> memref<1x25600xi32, #tpu.memory_space<hbm>>
      %dma_start3A_116 = tpu.memref_squeeze %dma_start3A_115 : memref<1x25600xi32, #tpu.memory_space<hbm>> -> memref<25600xi32, #tpu.memory_space<hbm>>
      %dma_start3A_117 = arith.constant 0 : i32
      %dma_start3A_118 = tpu.memref_slice %arg2[%add3A, %dma_start3A_117] : memref<32x25600xi32, #tpu.memory_space<hbm>> -> memref<1x25600xi32, #tpu.memory_space<hbm>>
      %dma_start3A_119 = tpu.memref_squeeze %dma_start3A_118 : memref<1x25600xi32, #tpu.memory_space<hbm>> -> memref<25600xi32, #tpu.memory_space<hbm>>
      tpu.enqueue_dma source(%dma_start3A_119 : memref<25600xi32, #tpu.memory_space<hbm>>) target(%arg5 : memref<25600xi32, #tpu.memory_space<vmem>>) target_semaphore(%run_scoped3A : memref<!tpu.dma_semaphore, #tpu.memory_space<semaphore_mem>>)
      %dma_wait3A_120 = arith.constant 0 : i32
      %dma_wait3A_121 = tpu.memref_slice %arg2[%add3A, %dma_wait3A_120] : memref<32x25600xi32, #tpu.memory_space<hbm>> -> memref<1x25600xi32, #tpu.memory_space<hbm>>
      %dma_wait3A_122 = tpu.memref_squeeze %dma_wait3A_121 : memref<1x25600xi32, #tpu.memory_space<hbm>> -> memref<25600xi32, #tpu.memory_space<hbm>>
      %dma_wait3A_123 = arith.constant 0 : i32
      %dma_wait3A_124 = tpu.memref_slice %arg2[%add3A, %dma_wait3A_123] : memref<32x25600xi32, #tpu.memory_space<hbm>> -> memref<1x25600xi32, #tpu.memory_space<hbm>>
      %dma_wait3A_125 = tpu.memref_squeeze %dma_wait3A_124 : memref<1x25600xi32, #tpu.memory_space<hbm>> -> memref<25600xi32, #tpu.memory_space<hbm>>
      tpu.wait_dma2 semaphore(%run_scoped3A : memref<!tpu.dma_semaphore, #tpu.memory_space<semaphore_mem>>) src(%dma_wait3A_125 : memref<25600xi32, #tpu.memory_space<hbm>>) dst(%arg5 : memref<25600xi32, #tpu.memory_space<vmem>>)
      tpu.yield
    }) : () -> ()
    %dma_start3A = arith.constant 0 : i32
    %dma_start3A_3 = arith.constant 0 : i32
    %dma_start3A_4 = arith.constant 0 : i32
    %dma_start3A_5 = tpu.memref_slice %arg6[%dma_start3A, %dma_start3A_3, %dma_start3A_4] : memref<4x200x128xf32, #tpu.memory_space<vmem>> -> memref<1x128x128xf32, #tpu.memory_space<vmem>>
    %dma_start3A_6 = tpu.memref_squeeze %dma_start3A_5 : memref<1x128x128xf32, #tpu.memory_space<vmem>> -> memref<128x128xf32, #tpu.memory_space<vmem>>
    %dma_start3A_7 = arith.constant 0 : i32
    %dma_start3A_8 = tpu.memref_slice %arg5[%dma_start3A_7] : memref<25600xi32, #tpu.memory_space<vmem>> -> memref<128xi32, #tpu.memory_space<vmem>>
    %dma_start3A_9 = arith.constant 0 : i32
    %dma_start3A_10 = arith.constant 0 : i32
    %dma_start3A_11 = tpu.memref_slice %arg3[%dma_start3A_9, %dma_start3A_10] : memref<100000x128xf32, #tpu.memory_space<hbm>> -> memref<100000x128xf32, #tpu.memory_space<hbm>>
    tpu.enqueue_indirect_dma source(%dma_start3A_11 : memref<100000x128xf32, #tpu.memory_space<hbm>>) target(%dma_start3A_6 : memref<128x128xf32, #tpu.memory_space<vmem>>) offsets(%dma_start3A_8 : memref<128xi32, #tpu.memory_space<vmem>>) semaphore(%arg7 : memref<!tpu.dma_semaphore, #tpu.memory_space<semaphore_mem>>)
    %dma_start3A_12 = arith.constant 0 : i32
    %dma_start3A_13 = arith.constant 128 : i32
    %dma_start3A_14 = arith.constant 0 : i32
    %dma_start3A_15 = tpu.memref_slice %arg6[%dma_start3A_12, %dma_start3A_13, %dma_start3A_14] : memref<4x200x128xf32, #tpu.memory_space<vmem>> -> memref<1x72x128xf32, #tpu.memory_space<vmem>>
    %dma_start3A_16 = tpu.memref_squeeze %dma_start3A_15 : memref<1x72x128xf32, #tpu.memory_space<vmem>> -> memref<72x128xf32, #tpu.memory_space<vmem>>
    %dma_start3A_17 = arith.constant 128 : i32
    %dma_start3A_18 = tpu.memref_slice %arg5[%dma_start3A_17] : memref<25600xi32, #tpu.memory_space<vmem>> -> memref<72xi32, #tpu.memory_space<vmem>>
    %dma_start3A_19 = arith.constant 0 : i32
    %dma_start3A_20 = arith.constant 0 : i32
    %dma_start3A_21 = tpu.memref_slice %arg3[%dma_start3A_19, %dma_start3A_20] : memref<100000x128xf32, #tpu.memory_space<hbm>> -> memref<100000x128xf32, #tpu.memory_space<hbm>>
    tpu.enqueue_indirect_dma source(%dma_start3A_21 : memref<100000x128xf32, #tpu.memory_space<hbm>>) target(%dma_start3A_16 : memref<72x128xf32, #tpu.memory_space<vmem>>) offsets(%dma_start3A_18 : memref<72xi32, #tpu.memory_space<vmem>>) semaphore(%arg7 : memref<!tpu.dma_semaphore, #tpu.memory_space<semaphore_mem>>)
    %dma_start3A_22 = arith.constant 1 : i32
    %dma_start3A_23 = arith.constant 0 : i32
    %dma_start3A_24 = arith.constant 0 : i32
    %dma_start3A_25 = tpu.memref_slice %arg6[%dma_start3A_22, %dma_start3A_23, %dma_start3A_24] : memref<4x200x128xf32, #tpu.memory_space<vmem>> -> memref<1x128x128xf32, #tpu.memory_space<vmem>>
    %dma_start3A_26 = tpu.memref_squeeze %dma_start3A_25 : memref<1x128x128xf32, #tpu.memory_space<vmem>> -> memref<128x128xf32, #tpu.memory_space<vmem>>
    %dma_start3A_27 = arith.constant 200 : i32
    %dma_start3A_28 = tpu.memref_slice %arg5[%dma_start3A_27] : memref<25600xi32, #tpu.memory_space<vmem>> -> memref<128xi32, #tpu.memory_space<vmem>>
    %dma_start3A_29 = arith.constant 0 : i32
    %dma_start3A_30 = arith.constant 0 : i32
    %dma_start3A_31 = tpu.memref_slice %arg3[%dma_start3A_29, %dma_start3A_30] : memref<100000x128xf32, #tpu.memory_space<hbm>> -> memref<100000x128xf32, #tpu.memory_space<hbm>>
    tpu.enqueue_indirect_dma source(%dma_start3A_31 : memref<100000x128xf32, #tpu.memory_space<hbm>>) target(%dma_start3A_26 : memref<128x128xf32, #tpu.memory_space<vmem>>) offsets(%dma_start3A_28 : memref<128xi32, #tpu.memory_space<vmem>>) semaphore(%arg8 : memref<!tpu.dma_semaphore, #tpu.memory_space<semaphore_mem>>)
    %dma_start3A_32 = arith.constant 1 : i32
    %dma_start3A_33 = arith.constant 128 : i32
    %dma_start3A_34 = arith.constant 0 : i32
    %dma_start3A_35 = tpu.memref_slice %arg6[%dma_start3A_32, %dma_start3A_33, %dma_start3A_34] : memref<4x200x128xf32, #tpu.memory_space<vmem>> -> memref<1x72x128xf32, #tpu.memory_space<vmem>>
    %dma_start3A_36 = tpu.memref_squeeze %dma_start3A_35 : memref<1x72x128xf32, #tpu.memory_space<vmem>> -> memref<72x128xf32, #tpu.memory_space<vmem>>
    %dma_start3A_37 = arith.constant 328 : i32
    %dma_start3A_38 = tpu.memref_slice %arg5[%dma_start3A_37] : memref<25600xi32, #tpu.memory_space<vmem>> -> memref<72xi32, #tpu.memory_space<vmem>>
    %dma_start3A_39 = arith.constant 0 : i32
    %dma_start3A_40 = arith.constant 0 : i32
    %dma_start3A_41 = tpu.memref_slice %arg3[%dma_start3A_39, %dma_start3A_40] : memref<100000x128xf32, #tpu.memory_space<hbm>> -> memref<100000x128xf32, #tpu.memory_space<hbm>>
    tpu.enqueue_indirect_dma source(%dma_start3A_41 : memref<100000x128xf32, #tpu.memory_space<hbm>>) target(%dma_start3A_36 : memref<72x128xf32, #tpu.memory_space<vmem>>) offsets(%dma_start3A_38 : memref<72xi32, #tpu.memory_space<vmem>>) semaphore(%arg8 : memref<!tpu.dma_semaphore, #tpu.memory_space<semaphore_mem>>)
    %scan3A = arith.constant 0 : i32
    %scan3A_42 = arith.constant 0 : i32
    %scan3A_43 = arith.constant 32 : i32
    %scan3A_44 = arith.addi %scan3A_42, %scan3A_43 : i32
    %scan3A_45 = arith.constant 1 : i32
    scf.for %scan3A_114 = %scan3A_42 to %scan3A_44 step %scan3A_45  : i32 {
      %mul3A_115 = arith.constant 4 : i32
      %mul3A_116 = arith.muli %scan3A_114, %mul3A_115 : i32
      %add3A_117 = arith.constant 0 : i32
      %add3A_118 = arith.addi %mul3A_116, %add3A_117 : i32
      %add3A_119 = arith.constant 2 : i32
      %add3A_120 = arith.addi %add3A_118, %add3A_119 : i32
      %lt3A = arith.constant 128 : i32
      %lt3A_121 = arith.cmpi slt, %add3A_120, %lt3A : i32
      %convert_element_type3A = arith.extui %lt3A_121 : i1 to i32
      %cond3A = arith.constant 0 : i32
      %cond3A_122 = arith.cmpi ne, %convert_element_type3A, %cond3A : i32
      scf.if %cond3A_122 {
        %add3A_288 = arith.constant 2 : i32
        %add3A_289 = arith.addi %add3A_118, %add3A_288 : i32
        %ge3A = arith.constant 4 : i32
        %ge3A_290 = arith.cmpi sge, %add3A_289, %ge3A : i32
        %convert_element_type3A_291 = arith.extui %ge3A_290 : i1 to i32
        %cond3A_292 = arith.constant 0 : i32
        %cond3A_293 = arith.cmpi ne, %convert_element_type3A_291, %cond3A_292 : i32
        scf.if %cond3A_293 {
          %dma_wait3A_322 = arith.constant 2 : i32
          %dma_wait3A_323 = arith.constant 0 : i32
          %dma_wait3A_324 = arith.constant 0 : i32
          %dma_wait3A_325 = tpu.memref_slice %arg6[%dma_wait3A_322, %dma_wait3A_323, %dma_wait3A_324] : memref<4x200x128xf32, #tpu.memory_space<vmem>> -> memref<1x200x128xf32, #tpu.memory_space<vmem>>
          %dma_wait3A_326 = tpu.memref_squeeze %dma_wait3A_325 : memref<1x200x128xf32, #tpu.memory_space<vmem>> -> memref<200x128xf32, #tpu.memory_space<vmem>>
          %dma_wait3A_327 = arith.constant 0 : i32
          %dma_wait3A_328 = arith.constant 0 : i32
          %dma_wait3A_329 = tpu.memref_slice %arg4[%mul3A_2, %dma_wait3A_327, %dma_wait3A_328] : memref<4096x200x128xf32, #tpu.memory_space<hbm>> -> memref<1x200x128xf32, #tpu.memory_space<hbm>>
          %dma_wait3A_330 = tpu.memref_squeeze %dma_wait3A_329 : memref<1x200x128xf32, #tpu.memory_space<hbm>> -> memref<200x128xf32, #tpu.memory_space<hbm>>
          %dma_wait3A_331 = arith.constant 0 : i32
          %dma_wait3A_332 = arith.constant 0 : i32
          %dma_wait3A_333 = tpu.memref_slice %arg4[%mul3A_2, %dma_wait3A_331, %dma_wait3A_332] : memref<4096x200x128xf32, #tpu.memory_space<hbm>> -> memref<1x200x128xf32, #tpu.memory_space<hbm>>
          %dma_wait3A_334 = tpu.memref_squeeze %dma_wait3A_333 : memref<1x200x128xf32, #tpu.memory_space<hbm>> -> memref<200x128xf32, #tpu.memory_space<hbm>>
          %dma_wait3A_335 = arith.constant 0 : i32
          %dma_wait3A_336 = arith.constant 0 : i32
          %dma_wait3A_337 = tpu.memref_slice %arg6[%dma_wait3A_322, %dma_wait3A_335, %dma_wait3A_336] : memref<4x200x128xf32, #tpu.memory_space<vmem>> -> memref<1x200x128xf32, #tpu.memory_space<vmem>>
          %dma_wait3A_338 = tpu.memref_squeeze %dma_wait3A_337 : memref<1x200x128xf32, #tpu.memory_space<vmem>> -> memref<200x128xf32, #tpu.memory_space<vmem>>
          tpu.wait_dma2 semaphore(%arg13 : memref<!tpu.dma_semaphore, #tpu.memory_space<semaphore_mem>>) src(%dma_wait3A_338 : memref<200x128xf32, #tpu.memory_space<vmem>>) dst(%dma_wait3A_334 : memref<200x128xf32, #tpu.memory_space<hbm>>)
        } else {
        }
        %add3A_294 = arith.constant 2 : i32
        %add3A_295 = arith.addi %add3A_118, %add3A_294 : i32
        %mul3A_296 = arith.constant 200 : i32
        %mul3A_297 = arith.muli %add3A_295, %mul3A_296 : i32
        %add3A_298 = arith.constant 0 : i32
        %add3A_299 = arith.addi %mul3A_297, %add3A_298 : i32
        %dma_start3A_300 = arith.constant 2 : i32
        %dma_start3A_301 = arith.constant 0 : i32
        %dma_start3A_302 = arith.constant 0 : i32
        %dma_start3A_303 = tpu.memref_slice %arg6[%dma_start3A_300, %dma_start3A_301, %dma_start3A_302] : memref<4x200x128xf32, #tpu.memory_space<vmem>> -> memref<1x128x128xf32, #tpu.memory_space<vmem>>
        %dma_start3A_304 = tpu.memref_squeeze %dma_start3A_303 : memref<1x128x128xf32, #tpu.memory_space<vmem>> -> memref<128x128xf32, #tpu.memory_space<vmem>>
        %dma_start3A_305 = tpu.memref_slice %arg5[%add3A_299] : memref<25600xi32, #tpu.memory_space<vmem>> -> memref<128xi32, #tpu.memory_space<vmem>>
        %dma_start3A_306 = arith.constant 0 : i32
        %dma_start3A_307 = arith.constant 0 : i32
        %dma_start3A_308 = tpu.memref_slice %arg3[%dma_start3A_306, %dma_start3A_307] : memref<100000x128xf32, #tpu.memory_space<hbm>> -> memref<100000x128xf32, #tpu.memory_space<hbm>>
        tpu.enqueue_indirect_dma source(%dma_start3A_308 : memref<100000x128xf32, #tpu.memory_space<hbm>>) target(%dma_start3A_304 : memref<128x128xf32, #tpu.memory_space<vmem>>) offsets(%dma_start3A_305 : memref<128xi32, #tpu.memory_space<vmem>>) semaphore(%arg9 : memref<!tpu.dma_semaphore, #tpu.memory_space<semaphore_mem>>)
        %mul3A_309 = arith.constant 200 : i32
        %mul3A_310 = arith.muli %add3A_295, %mul3A_309 : i32
        %add3A_311 = arith.constant 128 : i32
        %add3A_312 = arith.addi %mul3A_310, %add3A_311 : i32
        %dma_start3A_313 = arith.constant 2 : i32
        %dma_start3A_314 = arith.constant 128 : i32
        %dma_start3A_315 = arith.constant 0 : i32
        %dma_start3A_316 = tpu.memref_slice %arg6[%dma_start3A_313, %dma_start3A_314, %dma_start3A_315] : memref<4x200x128xf32, #tpu.memory_space<vmem>> -> memref<1x72x128xf32, #tpu.memory_space<vmem>>
        %dma_start3A_317 = tpu.memref_squeeze %dma_start3A_316 : memref<1x72x128xf32, #tpu.memory_space<vmem>> -> memref<72x128xf32, #tpu.memory_space<vmem>>
        %dma_start3A_318 = tpu.memref_slice %arg5[%add3A_312] : memref<25600xi32, #tpu.memory_space<vmem>> -> memref<72xi32, #tpu.memory_space<vmem>>
        %dma_start3A_319 = arith.constant 0 : i32
        %dma_start3A_320 = arith.constant 0 : i32
        %dma_start3A_321 = tpu.memref_slice %arg3[%dma_start3A_319, %dma_start3A_320] : memref<100000x128xf32, #tpu.memory_space<hbm>> -> memref<100000x128xf32, #tpu.memory_space<hbm>>
        tpu.enqueue_indirect_dma source(%dma_start3A_321 : memref<100000x128xf32, #tpu.memory_space<hbm>>) target(%dma_start3A_317 : memref<72x128xf32, #tpu.memory_space<vmem>>) offsets(%dma_start3A_318 : memref<72xi32, #tpu.memory_space<vmem>>) semaphore(%arg9 : memref<!tpu.dma_semaphore, #tpu.memory_space<semaphore_mem>>)
      } else {
      }
      %dma_wait3A_123 = arith.constant 0 : i32
      %dma_wait3A_124 = arith.constant 0 : i32
      %dma_wait3A_125 = arith.constant 0 : i32
      %dma_wait3A_126 = tpu.memref_slice %arg6[%dma_wait3A_123, %dma_wait3A_124, %dma_wait3A_125] : memref<4x200x128xf32, #tpu.memory_space<vmem>> -> memref<1x200x128xf32, #tpu.memory_space<vmem>>
      %dma_wait3A_127 = tpu.memref_squeeze %dma_wait3A_126 : memref<1x200x128xf32, #tpu.memory_space<vmem>> -> memref<200x128xf32, #tpu.memory_space<vmem>>
      %dma_wait3A_128 = arith.constant 0 : i32
      %dma_wait3A_129 = arith.constant 0 : i32
      %dma_wait3A_130 = tpu.memref_slice %arg3[%dma_wait3A_128, %dma_wait3A_129] : memref<100000x128xf32, #tpu.memory_space<hbm>> -> memref<200x128xf32, #tpu.memory_space<hbm>>
      %dma_wait3A_131 = arith.constant 0 : i32
      %dma_wait3A_132 = arith.constant 0 : i32
      %dma_wait3A_133 = tpu.memref_slice %arg6[%dma_wait3A_123, %dma_wait3A_131, %dma_wait3A_132] : memref<4x200x128xf32, #tpu.memory_space<vmem>> -> memref<1x200x128xf32, #tpu.memory_space<vmem>>
      %dma_wait3A_134 = tpu.memref_squeeze %dma_wait3A_133 : memref<1x200x128xf32, #tpu.memory_space<vmem>> -> memref<200x128xf32, #tpu.memory_space<vmem>>
      %dma_wait3A_135 = arith.constant 0 : i32
      %dma_wait3A_136 = arith.constant 0 : i32
      %dma_wait3A_137 = tpu.memref_slice %arg3[%dma_wait3A_135, %dma_wait3A_136] : memref<100000x128xf32, #tpu.memory_space<hbm>> -> memref<200x128xf32, #tpu.memory_space<hbm>>
      tpu.wait_dma2 semaphore(%arg7 : memref<!tpu.dma_semaphore, #tpu.memory_space<semaphore_mem>>) src(%dma_wait3A_137 : memref<200x128xf32, #tpu.memory_space<hbm>>) dst(%dma_wait3A_134 : memref<200x128xf32, #tpu.memory_space<vmem>>)
      %add3A_138 = arith.addi %mul3A_2, %add3A_118 : i32
      %dma_start3A_139 = arith.constant 0 : i32
      %dma_start3A_140 = arith.constant 0 : i32
      %dma_start3A_141 = arith.constant 0 : i32
      %dma_start3A_142 = tpu.memref_slice %arg6[%dma_start3A_139, %dma_start3A_140, %dma_start3A_141] : memref<4x200x128xf32, #tpu.memory_space<vmem>> -> memref<1x200x128xf32, #tpu.memory_space<vmem>>
      %dma_start3A_143 = tpu.memref_squeeze %dma_start3A_142 : memref<1x200x128xf32, #tpu.memory_space<vmem>> -> memref<200x128xf32, #tpu.memory_space<vmem>>
      %dma_start3A_144 = arith.constant 0 : i32
      %dma_start3A_145 = arith.constant 0 : i32
      %dma_start3A_146 = tpu.memref_slice %arg4[%add3A_138, %dma_start3A_144, %dma_start3A_145] : memref<4096x200x128xf32, #tpu.memory_space<hbm>> -> memref<1x200x128xf32, #tpu.memory_space<hbm>>
      %dma_start3A_147 = tpu.memref_squeeze %dma_start3A_146 : memref<1x200x128xf32, #tpu.memory_space<hbm>> -> memref<200x128xf32, #tpu.memory_space<hbm>>
      %dma_start3A_148 = arith.constant 0 : i32
      %dma_start3A_149 = arith.constant 0 : i32
      %dma_start3A_150 = tpu.memref_slice %arg4[%add3A_138, %dma_start3A_148, %dma_start3A_149] : memref<4096x200x128xf32, #tpu.memory_space<hbm>> -> memref<1x200x128xf32, #tpu.memory_space<hbm>>
      %dma_start3A_151 = tpu.memref_squeeze %dma_start3A_150 : memref<1x200x128xf32, #tpu.memory_space<hbm>> -> memref<200x128xf32, #tpu.memory_space<hbm>>
      %dma_start3A_152 = arith.constant 0 : i32
      %dma_start3A_153 = arith.constant 0 : i32
      %dma_start3A_154 = tpu.memref_slice %arg6[%dma_start3A_139, %dma_start3A_152, %dma_start3A_153] : memref<4x200x128xf32, #tpu.memory_space<vmem>> -> memref<1x200x128xf32, #tpu.memory_space<vmem>>
      %dma_start3A_155 = tpu.memref_squeeze %dma_start3A_154 : memref<1x200x128xf32, #tpu.memory_space<vmem>> -> memref<200x128xf32, #tpu.memory_space<vmem>>
      tpu.enqueue_dma source(%dma_start3A_155 : memref<200x128xf32, #tpu.memory_space<vmem>>) target(%dma_start3A_151 : memref<200x128xf32, #tpu.memory_space<hbm>>) target_semaphore(%arg11 : memref<!tpu.dma_semaphore, #tpu.memory_space<semaphore_mem>>)
      %mul3A_156 = arith.constant 4 : i32
      %mul3A_157 = arith.muli %scan3A_114, %mul3A_156 : i32
      %add3A_158 = arith.constant 1 : i32
      %add3A_159 = arith.addi %mul3A_157, %add3A_158 : i32
      %add3A_160 = arith.constant 2 : i32
      %add3A_161 = arith.addi %add3A_159, %add3A_160 : i32
      %lt3A_162 = arith.constant 128 : i32
      %lt3A_163 = arith.cmpi slt, %add3A_161, %lt3A_162 : i32
      %convert_element_type3A_164 = arith.extui %lt3A_163 : i1 to i32
      %cond3A_165 = arith.constant 0 : i32
      %cond3A_166 = arith.cmpi ne, %convert_element_type3A_164, %cond3A_165 : i32
      scf.if %cond3A_166 {
        %add3A_288 = arith.constant 2 : i32
        %add3A_289 = arith.addi %add3A_159, %add3A_288 : i32
        %ge3A = arith.constant 4 : i32
        %ge3A_290 = arith.cmpi sge, %add3A_289, %ge3A : i32
        %convert_element_type3A_291 = arith.extui %ge3A_290 : i1 to i32
        %cond3A_292 = arith.constant 0 : i32
        %cond3A_293 = arith.cmpi ne, %convert_element_type3A_291, %cond3A_292 : i32
        scf.if %cond3A_293 {
          %dma_wait3A_322 = arith.constant 3 : i32
          %dma_wait3A_323 = arith.constant 0 : i32
          %dma_wait3A_324 = arith.constant 0 : i32
          %dma_wait3A_325 = tpu.memref_slice %arg6[%dma_wait3A_322, %dma_wait3A_323, %dma_wait3A_324] : memref<4x200x128xf32, #tpu.memory_space<vmem>> -> memref<1x200x128xf32, #tpu.memory_space<vmem>>
          %dma_wait3A_326 = tpu.memref_squeeze %dma_wait3A_325 : memref<1x200x128xf32, #tpu.memory_space<vmem>> -> memref<200x128xf32, #tpu.memory_space<vmem>>
          %dma_wait3A_327 = arith.constant 0 : i32
          %dma_wait3A_328 = arith.constant 0 : i32
          %dma_wait3A_329 = tpu.memref_slice %arg4[%mul3A_2, %dma_wait3A_327, %dma_wait3A_328] : memref<4096x200x128xf32, #tpu.memory_space<hbm>> -> memref<1x200x128xf32, #tpu.memory_space<hbm>>
          %dma_wait3A_330 = tpu.memref_squeeze %dma_wait3A_329 : memref<1x200x128xf32, #tpu.memory_space<hbm>> -> memref<200x128xf32, #tpu.memory_space<hbm>>
          %dma_wait3A_331 = arith.constant 0 : i32
          %dma_wait3A_332 = arith.constant 0 : i32
          %dma_wait3A_333 = tpu.memref_slice %arg4[%mul3A_2, %dma_wait3A_331, %dma_wait3A_332] : memref<4096x200x128xf32, #tpu.memory_space<hbm>> -> memref<1x200x128xf32, #tpu.memory_space<hbm>>
          %dma_wait3A_334 = tpu.memref_squeeze %dma_wait3A_333 : memref<1x200x128xf32, #tpu.memory_space<hbm>> -> memref<200x128xf32, #tpu.memory_space<hbm>>
          %dma_wait3A_335 = arith.constant 0 : i32
          %dma_wait3A_336 = arith.constant 0 : i32
          %dma_wait3A_337 = tpu.memref_slice %arg6[%dma_wait3A_322, %dma_wait3A_335, %dma_wait3A_336] : memref<4x200x128xf32, #tpu.memory_space<vmem>> -> memref<1x200x128xf32, #tpu.memory_space<vmem>>
          %dma_wait3A_338 = tpu.memref_squeeze %dma_wait3A_337 : memref<1x200x128xf32, #tpu.memory_space<vmem>> -> memref<200x128xf32, #tpu.memory_space<vmem>>
          tpu.wait_dma2 semaphore(%arg14 : memref<!tpu.dma_semaphore, #tpu.memory_space<semaphore_mem>>) src(%dma_wait3A_338 : memref<200x128xf32, #tpu.memory_space<vmem>>) dst(%dma_wait3A_334 : memref<200x128xf32, #tpu.memory_space<hbm>>)
        } else {
        }
        %add3A_294 = arith.constant 2 : i32
        %add3A_295 = arith.addi %add3A_159, %add3A_294 : i32
        %mul3A_296 = arith.constant 200 : i32
        %mul3A_297 = arith.muli %add3A_295, %mul3A_296 : i32
        %add3A_298 = arith.constant 0 : i32
        %add3A_299 = arith.addi %mul3A_297, %add3A_298 : i32
        %dma_start3A_300 = arith.constant 3 : i32
        %dma_start3A_301 = arith.constant 0 : i32
        %dma_start3A_302 = arith.constant 0 : i32
        %dma_start3A_303 = tpu.memref_slice %arg6[%dma_start3A_300, %dma_start3A_301, %dma_start3A_302] : memref<4x200x128xf32, #tpu.memory_space<vmem>> -> memref<1x128x128xf32, #tpu.memory_space<vmem>>
        %dma_start3A_304 = tpu.memref_squeeze %dma_start3A_303 : memref<1x128x128xf32, #tpu.memory_space<vmem>> -> memref<128x128xf32, #tpu.memory_space<vmem>>
        %dma_start3A_305 = tpu.memref_slice %arg5[%add3A_299] : memref<25600xi32, #tpu.memory_space<vmem>> -> memref<128xi32, #tpu.memory_space<vmem>>
        %dma_start3A_306 = arith.constant 0 : i32
        %dma_start3A_307 = arith.constant 0 : i32
        %dma_start3A_308 = tpu.memref_slice %arg3[%dma_start3A_306, %dma_start3A_307] : memref<100000x128xf32, #tpu.memory_space<hbm>> -> memref<100000x128xf32, #tpu.memory_space<hbm>>
        tpu.enqueue_indirect_dma source(%dma_start3A_308 : memref<100000x128xf32, #tpu.memory_space<hbm>>) target(%dma_start3A_304 : memref<128x128xf32, #tpu.memory_space<vmem>>) offsets(%dma_start3A_305 : memref<128xi32, #tpu.memory_space<vmem>>) semaphore(%arg10 : memref<!tpu.dma_semaphore, #tpu.memory_space<semaphore_mem>>)
        %mul3A_309 = arith.constant 200 : i32
        %mul3A_310 = arith.muli %add3A_295, %mul3A_309 : i32
        %add3A_311 = arith.constant 128 : i32
        %add3A_312 = arith.addi %mul3A_310, %add3A_311 : i32
        %dma_start3A_313 = arith.constant 3 : i32
        %dma_start3A_314 = arith.constant 128 : i32
        %dma_start3A_315 = arith.constant 0 : i32
        %dma_start3A_316 = tpu.memref_slice %arg6[%dma_start3A_313, %dma_start3A_314, %dma_start3A_315] : memref<4x200x128xf32, #tpu.memory_space<vmem>> -> memref<1x72x128xf32, #tpu.memory_space<vmem>>
        %dma_start3A_317 = tpu.memref_squeeze %dma_start3A_316 : memref<1x72x128xf32, #tpu.memory_space<vmem>> -> memref<72x128xf32, #tpu.memory_space<vmem>>
        %dma_start3A_318 = tpu.memref_slice %arg5[%add3A_312] : memref<25600xi32, #tpu.memory_space<vmem>> -> memref<72xi32, #tpu.memory_space<vmem>>
        %dma_start3A_319 = arith.constant 0 : i32
        %dma_start3A_320 = arith.constant 0 : i32
        %dma_start3A_321 = tpu.memref_slice %arg3[%dma_start3A_319, %dma_start3A_320] : memref<100000x128xf32, #tpu.memory_space<hbm>> -> memref<100000x128xf32, #tpu.memory_space<hbm>>
        tpu.enqueue_indirect_dma source(%dma_start3A_321 : memref<100000x128xf32, #tpu.memory_space<hbm>>) target(%dma_start3A_317 : memref<72x128xf32, #tpu.memory_space<vmem>>) offsets(%dma_start3A_318 : memref<72xi32, #tpu.memory_space<vmem>>) semaphore(%arg10 : memref<!tpu.dma_semaphore, #tpu.memory_space<semaphore_mem>>)
      } else {
      }
      %dma_wait3A_167 = arith.constant 1 : i32
      %dma_wait3A_168 = arith.constant 0 : i32
      %dma_wait3A_169 = arith.constant 0 : i32
      %dma_wait3A_170 = tpu.memref_slice %arg6[%dma_wait3A_167, %dma_wait3A_168, %dma_wait3A_169] : memref<4x200x128xf32, #tpu.memory_space<vmem>> -> memref<1x200x128xf32, #tpu.memory_space<vmem>>
      %dma_wait3A_171 = tpu.memref_squeeze %dma_wait3A_170 : memref<1x200x128xf32, #tpu.memory_space<vmem>> -> memref<200x128xf32, #tpu.memory_space<vmem>>
      %dma_wait3A_172 = arith.constant 0 : i32
      %dma_wait3A_173 = arith.constant 0 : i32
      %dma_wait3A_174 = tpu.memref_slice %arg3[%dma_wait3A_172, %dma_wait3A_173] : memref<100000x128xf32, #tpu.memory_space<hbm>> -> memref<200x128xf32, #tpu.memory_space<hbm>>
      %dma_wait3A_175 = arith.constant 0 : i32
      %dma_wait3A_176 = arith.constant 0 : i32
      %dma_wait3A_177 = tpu.memref_slice %arg6[%dma_wait3A_167, %dma_wait3A_175, %dma_wait3A_176] : memref<4x200x128xf32, #tpu.memory_space<vmem>> -> memref<1x200x128xf32, #tpu.memory_space<vmem>>
      %dma_wait3A_178 = tpu.memref_squeeze %dma_wait3A_177 : memref<1x200x128xf32, #tpu.memory_space<vmem>> -> memref<200x128xf32, #tpu.memory_space<vmem>>
      %dma_wait3A_179 = arith.constant 0 : i32
      %dma_wait3A_180 = arith.constant 0 : i32
      %dma_wait3A_181 = tpu.memref_slice %arg3[%dma_wait3A_179, %dma_wait3A_180] : memref<100000x128xf32, #tpu.memory_space<hbm>> -> memref<200x128xf32, #tpu.memory_space<hbm>>
      tpu.wait_dma2 semaphore(%arg8 : memref<!tpu.dma_semaphore, #tpu.memory_space<semaphore_mem>>) src(%dma_wait3A_181 : memref<200x128xf32, #tpu.memory_space<hbm>>) dst(%dma_wait3A_178 : memref<200x128xf32, #tpu.memory_space<vmem>>)
      %add3A_182 = arith.addi %mul3A_2, %add3A_159 : i32
      %dma_start3A_183 = arith.constant 1 : i32
      %dma_start3A_184 = arith.constant 0 : i32
      %dma_start3A_185 = arith.constant 0 : i32
      %dma_start3A_186 = tpu.memref_slice %arg6[%dma_start3A_183, %dma_start3A_184, %dma_start3A_185] : memref<4x200x128xf32, #tpu.memory_space<vmem>> -> memref<1x200x128xf32, #tpu.memory_space<vmem>>
      %dma_start3A_187 = tpu.memref_squeeze %dma_start3A_186 : memref<1x200x128xf32, #tpu.memory_space<vmem>> -> memref<200x128xf32, #tpu.memory_space<vmem>>
      %dma_start3A_188 = arith.constant 0 : i32
      %dma_start3A_189 = arith.constant 0 : i32
      %dma_start3A_190 = tpu.memref_slice %arg4[%add3A_182, %dma_start3A_188, %dma_start3A_189] : memref<4096x200x128xf32, #tpu.memory_space<hbm>> -> memref<1x200x128xf32, #tpu.memory_space<hbm>>
      %dma_start3A_191 = tpu.memref_squeeze %dma_start3A_190 : memref<1x200x128xf32, #tpu.memory_space<hbm>> -> memref<200x128xf32, #tpu.memory_space<hbm>>
      %dma_start3A_192 = arith.constant 0 : i32
      %dma_start3A_193 = arith.constant 0 : i32
      %dma_start3A_194 = tpu.memref_slice %arg4[%add3A_182, %dma_start3A_192, %dma_start3A_193] : memref<4096x200x128xf32, #tpu.memory_space<hbm>> -> memref<1x200x128xf32, #tpu.memory_space<hbm>>
      %dma_start3A_195 = tpu.memref_squeeze %dma_start3A_194 : memref<1x200x128xf32, #tpu.memory_space<hbm>> -> memref<200x128xf32, #tpu.memory_space<hbm>>
      %dma_start3A_196 = arith.constant 0 : i32
      %dma_start3A_197 = arith.constant 0 : i32
      %dma_start3A_198 = tpu.memref_slice %arg6[%dma_start3A_183, %dma_start3A_196, %dma_start3A_197] : memref<4x200x128xf32, #tpu.memory_space<vmem>> -> memref<1x200x128xf32, #tpu.memory_space<vmem>>
      %dma_start3A_199 = tpu.memref_squeeze %dma_start3A_198 : memref<1x200x128xf32, #tpu.memory_space<vmem>> -> memref<200x128xf32, #tpu.memory_space<vmem>>
      tpu.enqueue_dma source(%dma_start3A_199 : memref<200x128xf32, #tpu.memory_space<vmem>>) target(%dma_start3A_195 : memref<200x128xf32, #tpu.memory_space<hbm>>) target_semaphore(%arg12 : memref<!tpu.dma_semaphore, #tpu.memory_space<semaphore_mem>>)
      %mul3A_200 = arith.constant 4 : i32
      %mul3A_201 = arith.muli %scan3A_114, %mul3A_200 : i32
      %add3A_202 = arith.constant 2 : i32
      %add3A_203 = arith.addi %mul3A_201, %add3A_202 : i32
      %add3A_204 = arith.constant 2 : i32
      %add3A_205 = arith.addi %add3A_203, %add3A_204 : i32
      %lt3A_206 = arith.constant 128 : i32
      %lt3A_207 = arith.cmpi slt, %add3A_205, %lt3A_206 : i32
      %convert_element_type3A_208 = arith.extui %lt3A_207 : i1 to i32
      %cond3A_209 = arith.constant 0 : i32
      %cond3A_210 = arith.cmpi ne, %convert_element_type3A_208, %cond3A_209 : i32
      scf.if %cond3A_210 {
        %add3A_288 = arith.constant 2 : i32
        %add3A_289 = arith.addi %add3A_203, %add3A_288 : i32
        %ge3A = arith.constant 4 : i32
        %ge3A_290 = arith.cmpi sge, %add3A_289, %ge3A : i32
        %convert_element_type3A_291 = arith.extui %ge3A_290 : i1 to i32
        %cond3A_292 = arith.constant 0 : i32
        %cond3A_293 = arith.cmpi ne, %convert_element_type3A_291, %cond3A_292 : i32
        scf.if %cond3A_293 {
          %dma_wait3A_322 = arith.constant 0 : i32
          %dma_wait3A_323 = arith.constant 0 : i32
          %dma_wait3A_324 = arith.constant 0 : i32
          %dma_wait3A_325 = tpu.memref_slice %arg6[%dma_wait3A_322, %dma_wait3A_323, %dma_wait3A_324] : memref<4x200x128xf32, #tpu.memory_space<vmem>> -> memref<1x200x128xf32, #tpu.memory_space<vmem>>
          %dma_wait3A_326 = tpu.memref_squeeze %dma_wait3A_325 : memref<1x200x128xf32, #tpu.memory_space<vmem>> -> memref<200x128xf32, #tpu.memory_space<vmem>>
          %dma_wait3A_327 = arith.constant 0 : i32
          %dma_wait3A_328 = arith.constant 0 : i32
          %dma_wait3A_329 = tpu.memref_slice %arg4[%mul3A_2, %dma_wait3A_327, %dma_wait3A_328] : memref<4096x200x128xf32, #tpu.memory_space<hbm>> -> memref<1x200x128xf32, #tpu.memory_space<hbm>>
          %dma_wait3A_330 = tpu.memref_squeeze %dma_wait3A_329 : memref<1x200x128xf32, #tpu.memory_space<hbm>> -> memref<200x128xf32, #tpu.memory_space<hbm>>
          %dma_wait3A_331 = arith.constant 0 : i32
          %dma_wait3A_332 = arith.constant 0 : i32
          %dma_wait3A_333 = tpu.memref_slice %arg4[%mul3A_2, %dma_wait3A_331, %dma_wait3A_332] : memref<4096x200x128xf32, #tpu.memory_space<hbm>> -> memref<1x200x128xf32, #tpu.memory_space<hbm>>
          %dma_wait3A_334 = tpu.memref_squeeze %dma_wait3A_333 : memref<1x200x128xf32, #tpu.memory_space<hbm>> -> memref<200x128xf32, #tpu.memory_space<hbm>>
          %dma_wait3A_335 = arith.constant 0 : i32
          %dma_wait3A_336 = arith.constant 0 : i32
          %dma_wait3A_337 = tpu.memref_slice %arg6[%dma_wait3A_322, %dma_wait3A_335, %dma_wait3A_336] : memref<4x200x128xf32, #tpu.memory_space<vmem>> -> memref<1x200x128xf32, #tpu.memory_space<vmem>>
          %dma_wait3A_338 = tpu.memref_squeeze %dma_wait3A_337 : memref<1x200x128xf32, #tpu.memory_space<vmem>> -> memref<200x128xf32, #tpu.memory_space<vmem>>
          tpu.wait_dma2 semaphore(%arg11 : memref<!tpu.dma_semaphore, #tpu.memory_space<semaphore_mem>>) src(%dma_wait3A_338 : memref<200x128xf32, #tpu.memory_space<vmem>>) dst(%dma_wait3A_334 : memref<200x128xf32, #tpu.memory_space<hbm>>)
        } else {
        }
        %add3A_294 = arith.constant 2 : i32
        %add3A_295 = arith.addi %add3A_203, %add3A_294 : i32
        %mul3A_296 = arith.constant 200 : i32
        %mul3A_297 = arith.muli %add3A_295, %mul3A_296 : i32
        %add3A_298 = arith.constant 0 : i32
        %add3A_299 = arith.addi %mul3A_297, %add3A_298 : i32
        %dma_start3A_300 = arith.constant 0 : i32
        %dma_start3A_301 = arith.constant 0 : i32
        %dma_start3A_302 = arith.constant 0 : i32
        %dma_start3A_303 = tpu.memref_slice %arg6[%dma_start3A_300, %dma_start3A_301, %dma_start3A_302] : memref<4x200x128xf32, #tpu.memory_space<vmem>> -> memref<1x128x128xf32, #tpu.memory_space<vmem>>
        %dma_start3A_304 = tpu.memref_squeeze %dma_start3A_303 : memref<1x128x128xf32, #tpu.memory_space<vmem>> -> memref<128x128xf32, #tpu.memory_space<vmem>>
        %dma_start3A_305 = tpu.memref_slice %arg5[%add3A_299] : memref<25600xi32, #tpu.memory_space<vmem>> -> memref<128xi32, #tpu.memory_space<vmem>>
        %dma_start3A_306 = arith.constant 0 : i32
        %dma_start3A_307 = arith.constant 0 : i32
        %dma_start3A_308 = tpu.memref_slice %arg3[%dma_start3A_306, %dma_start3A_307] : memref<100000x128xf32, #tpu.memory_space<hbm>> -> memref<100000x128xf32, #tpu.memory_space<hbm>>
        tpu.enqueue_indirect_dma source(%dma_start3A_308 : memref<100000x128xf32, #tpu.memory_space<hbm>>) target(%dma_start3A_304 : memref<128x128xf32, #tpu.memory_space<vmem>>) offsets(%dma_start3A_305 : memref<128xi32, #tpu.memory_space<vmem>>) semaphore(%arg7 : memref<!tpu.dma_semaphore, #tpu.memory_space<semaphore_mem>>)
        %mul3A_309 = arith.constant 200 : i32
        %mul3A_310 = arith.muli %add3A_295, %mul3A_309 : i32
        %add3A_311 = arith.constant 128 : i32
        %add3A_312 = arith.addi %mul3A_310, %add3A_311 : i32
        %dma_start3A_313 = arith.constant 0 : i32
        %dma_start3A_314 = arith.constant 128 : i32
        %dma_start3A_315 = arith.constant 0 : i32
        %dma_start3A_316 = tpu.memref_slice %arg6[%dma_start3A_313, %dma_start3A_314, %dma_start3A_315] : memref<4x200x128xf32, #tpu.memory_space<vmem>> -> memref<1x72x128xf32, #tpu.memory_space<vmem>>
        %dma_start3A_317 = tpu.memref_squeeze %dma_start3A_316 : memref<1x72x128xf32, #tpu.memory_space<vmem>> -> memref<72x128xf32, #tpu.memory_space<vmem>>
        %dma_start3A_318 = tpu.memref_slice %arg5[%add3A_312] : memref<25600xi32, #tpu.memory_space<vmem>> -> memref<72xi32, #tpu.memory_space<vmem>>
        %dma_start3A_319 = arith.constant 0 : i32
        %dma_start3A_320 = arith.constant 0 : i32
        %dma_start3A_321 = tpu.memref_slice %arg3[%dma_start3A_319, %dma_start3A_320] : memref<100000x128xf32, #tpu.memory_space<hbm>> -> memref<100000x128xf32, #tpu.memory_space<hbm>>
        tpu.enqueue_indirect_dma source(%dma_start3A_321 : memref<100000x128xf32, #tpu.memory_space<hbm>>) target(%dma_start3A_317 : memref<72x128xf32, #tpu.memory_space<vmem>>) offsets(%dma_start3A_318 : memref<72xi32, #tpu.memory_space<vmem>>) semaphore(%arg7 : memref<!tpu.dma_semaphore, #tpu.memory_space<semaphore_mem>>)
      } else {
      }
      %dma_wait3A_211 = arith.constant 2 : i32
      %dma_wait3A_212 = arith.constant 0 : i32
      %dma_wait3A_213 = arith.constant 0 : i32
      %dma_wait3A_214 = tpu.memref_slice %arg6[%dma_wait3A_211, %dma_wait3A_212, %dma_wait3A_213] : memref<4x200x128xf32, #tpu.memory_space<vmem>> -> memref<1x200x128xf32, #tpu.memory_space<vmem>>
      %dma_wait3A_215 = tpu.memref_squeeze %dma_wait3A_214 : memref<1x200x128xf32, #tpu.memory_space<vmem>> -> memref<200x128xf32, #tpu.memory_space<vmem>>
      %dma_wait3A_216 = arith.constant 0 : i32
      %dma_wait3A_217 = arith.constant 0 : i32
      %dma_wait3A_218 = tpu.memref_slice %arg3[%dma_wait3A_216, %dma_wait3A_217] : memref<100000x128xf32, #tpu.memory_space<hbm>> -> memref<200x128xf32, #tpu.memory_space<hbm>>
      %dma_wait3A_219 = arith.constant 0 : i32
      %dma_wait3A_220 = arith.constant 0 : i32
      %dma_wait3A_221 = tpu.memref_slice %arg6[%dma_wait3A_211, %dma_wait3A_219, %dma_wait3A_220] : memref<4x200x128xf32, #tpu.memory_space<vmem>> -> memref<1x200x128xf32, #tpu.memory_space<vmem>>
      %dma_wait3A_222 = tpu.memref_squeeze %dma_wait3A_221 : memref<1x200x128xf32, #tpu.memory_space<vmem>> -> memref<200x128xf32, #tpu.memory_space<vmem>>
      %dma_wait3A_223 = arith.constant 0 : i32
      %dma_wait3A_224 = arith.constant 0 : i32
      %dma_wait3A_225 = tpu.memref_slice %arg3[%dma_wait3A_223, %dma_wait3A_224] : memref<100000x128xf32, #tpu.memory_space<hbm>> -> memref<200x128xf32, #tpu.memory_space<hbm>>
      tpu.wait_dma2 semaphore(%arg9 : memref<!tpu.dma_semaphore, #tpu.memory_space<semaphore_mem>>) src(%dma_wait3A_225 : memref<200x128xf32, #tpu.memory_space<hbm>>) dst(%dma_wait3A_222 : memref<200x128xf32, #tpu.memory_space<vmem>>)
      %add3A_226 = arith.addi %mul3A_2, %add3A_203 : i32
      %dma_start3A_227 = arith.constant 2 : i32
      %dma_start3A_228 = arith.constant 0 : i32
      %dma_start3A_229 = arith.constant 0 : i32
      %dma_start3A_230 = tpu.memref_slice %arg6[%dma_start3A_227, %dma_start3A_228, %dma_start3A_229] : memref<4x200x128xf32, #tpu.memory_space<vmem>> -> memref<1x200x128xf32, #tpu.memory_space<vmem>>
      %dma_start3A_231 = tpu.memref_squeeze %dma_start3A_230 : memref<1x200x128xf32, #tpu.memory_space<vmem>> -> memref<200x128xf32, #tpu.memory_space<vmem>>
      %dma_start3A_232 = arith.constant 0 : i32
      %dma_start3A_233 = arith.constant 0 : i32
      %dma_start3A_234 = tpu.memref_slice %arg4[%add3A_226, %dma_start3A_232, %dma_start3A_233] : memref<4096x200x128xf32, #tpu.memory_space<hbm>> -> memref<1x200x128xf32, #tpu.memory_space<hbm>>
      %dma_start3A_235 = tpu.memref_squeeze %dma_start3A_234 : memref<1x200x128xf32, #tpu.memory_space<hbm>> -> memref<200x128xf32, #tpu.memory_space<hbm>>
      %dma_start3A_236 = arith.constant 0 : i32
      %dma_start3A_237 = arith.constant 0 : i32
      %dma_start3A_238 = tpu.memref_slice %arg4[%add3A_226, %dma_start3A_236, %dma_start3A_237] : memref<4096x200x128xf32, #tpu.memory_space<hbm>> -> memref<1x200x128xf32, #tpu.memory_space<hbm>>
      %dma_start3A_239 = tpu.memref_squeeze %dma_start3A_238 : memref<1x200x128xf32, #tpu.memory_space<hbm>> -> memref<200x128xf32, #tpu.memory_space<hbm>>
      %dma_start3A_240 = arith.constant 0 : i32
      %dma_start3A_241 = arith.constant 0 : i32
      %dma_start3A_242 = tpu.memref_slice %arg6[%dma_start3A_227, %dma_start3A_240, %dma_start3A_241] : memref<4x200x128xf32, #tpu.memory_space<vmem>> -> memref<1x200x128xf32, #tpu.memory_space<vmem>>
      %dma_start3A_243 = tpu.memref_squeeze %dma_start3A_242 : memref<1x200x128xf32, #tpu.memory_space<vmem>> -> memref<200x128xf32, #tpu.memory_space<vmem>>
      tpu.enqueue_dma source(%dma_start3A_243 : memref<200x128xf32, #tpu.memory_space<vmem>>) target(%dma_start3A_239 : memref<200x128xf32, #tpu.memory_space<hbm>>) target_semaphore(%arg13 : memref<!tpu.dma_semaphore, #tpu.memory_space<semaphore_mem>>)
      %mul3A_244 = arith.constant 4 : i32
      %mul3A_245 = arith.muli %scan3A_114, %mul3A_244 : i32
      %add3A_246 = arith.constant 3 : i32
      %add3A_247 = arith.addi %mul3A_245, %add3A_246 : i32
      %add3A_248 = arith.constant 2 : i32
      %add3A_249 = arith.addi %add3A_247, %add3A_248 : i32
      %lt3A_250 = arith.constant 128 : i32
      %lt3A_251 = arith.cmpi slt, %add3A_249, %lt3A_250 : i32
      %convert_element_type3A_252 = arith.extui %lt3A_251 : i1 to i32
      %cond3A_253 = arith.constant 0 : i32
      %cond3A_254 = arith.cmpi ne, %convert_element_type3A_252, %cond3A_253 : i32
      scf.if %cond3A_254 {
        %add3A_288 = arith.constant 2 : i32
        %add3A_289 = arith.addi %add3A_247, %add3A_288 : i32
        %ge3A = arith.constant 4 : i32
        %ge3A_290 = arith.cmpi sge, %add3A_289, %ge3A : i32
        %convert_element_type3A_291 = arith.extui %ge3A_290 : i1 to i32
        %cond3A_292 = arith.constant 0 : i32
        %cond3A_293 = arith.cmpi ne, %convert_element_type3A_291, %cond3A_292 : i32
        scf.if %cond3A_293 {
          %dma_wait3A_322 = arith.constant 1 : i32
          %dma_wait3A_323 = arith.constant 0 : i32
          %dma_wait3A_324 = arith.constant 0 : i32
          %dma_wait3A_325 = tpu.memref_slice %arg6[%dma_wait3A_322, %dma_wait3A_323, %dma_wait3A_324] : memref<4x200x128xf32, #tpu.memory_space<vmem>> -> memref<1x200x128xf32, #tpu.memory_space<vmem>>
          %dma_wait3A_326 = tpu.memref_squeeze %dma_wait3A_325 : memref<1x200x128xf32, #tpu.memory_space<vmem>> -> memref<200x128xf32, #tpu.memory_space<vmem>>
          %dma_wait3A_327 = arith.constant 0 : i32
          %dma_wait3A_328 = arith.constant 0 : i32
          %dma_wait3A_329 = tpu.memref_slice %arg4[%mul3A_2, %dma_wait3A_327, %dma_wait3A_328] : memref<4096x200x128xf32, #tpu.memory_space<hbm>> -> memref<1x200x128xf32, #tpu.memory_space<hbm>>
          %dma_wait3A_330 = tpu.memref_squeeze %dma_wait3A_329 : memref<1x200x128xf32, #tpu.memory_space<hbm>> -> memref<200x128xf32, #tpu.memory_space<hbm>>
          %dma_wait3A_331 = arith.constant 0 : i32
          %dma_wait3A_332 = arith.constant 0 : i32
          %dma_wait3A_333 = tpu.memref_slice %arg4[%mul3A_2, %dma_wait3A_331, %dma_wait3A_332] : memref<4096x200x128xf32, #tpu.memory_space<hbm>> -> memref<1x200x128xf32, #tpu.memory_space<hbm>>
          %dma_wait3A_334 = tpu.memref_squeeze %dma_wait3A_333 : memref<1x200x128xf32, #tpu.memory_space<hbm>> -> memref<200x128xf32, #tpu.memory_space<hbm>>
          %dma_wait3A_335 = arith.constant 0 : i32
          %dma_wait3A_336 = arith.constant 0 : i32
          %dma_wait3A_337 = tpu.memref_slice %arg6[%dma_wait3A_322, %dma_wait3A_335, %dma_wait3A_336] : memref<4x200x128xf32, #tpu.memory_space<vmem>> -> memref<1x200x128xf32, #tpu.memory_space<vmem>>
          %dma_wait3A_338 = tpu.memref_squeeze %dma_wait3A_337 : memref<1x200x128xf32, #tpu.memory_space<vmem>> -> memref<200x128xf32, #tpu.memory_space<vmem>>
          tpu.wait_dma2 semaphore(%arg12 : memref<!tpu.dma_semaphore, #tpu.memory_space<semaphore_mem>>) src(%dma_wait3A_338 : memref<200x128xf32, #tpu.memory_space<vmem>>) dst(%dma_wait3A_334 : memref<200x128xf32, #tpu.memory_space<hbm>>)
        } else {
        }
        %add3A_294 = arith.constant 2 : i32
        %add3A_295 = arith.addi %add3A_247, %add3A_294 : i32
        %mul3A_296 = arith.constant 200 : i32
        %mul3A_297 = arith.muli %add3A_295, %mul3A_296 : i32
        %add3A_298 = arith.constant 0 : i32
        %add3A_299 = arith.addi %mul3A_297, %add3A_298 : i32
        %dma_start3A_300 = arith.constant 1 : i32
        %dma_start3A_301 = arith.constant 0 : i32
        %dma_start3A_302 = arith.constant 0 : i32
        %dma_start3A_303 = tpu.memref_slice %arg6[%dma_start3A_300, %dma_start3A_301, %dma_start3A_302] : memref<4x200x128xf32, #tpu.memory_space<vmem>> -> memref<1x128x128xf32, #tpu.memory_space<vmem>>
        %dma_start3A_304 = tpu.memref_squeeze %dma_start3A_303 : memref<1x128x128xf32, #tpu.memory_space<vmem>> -> memref<128x128xf32, #tpu.memory_space<vmem>>
        %dma_start3A_305 = tpu.memref_slice %arg5[%add3A_299] : memref<25600xi32, #tpu.memory_space<vmem>> -> memref<128xi32, #tpu.memory_space<vmem>>
        %dma_start3A_306 = arith.constant 0 : i32
        %dma_start3A_307 = arith.constant 0 : i32
        %dma_start3A_308 = tpu.memref_slice %arg3[%dma_start3A_306, %dma_start3A_307] : memref<100000x128xf32, #tpu.memory_space<hbm>> -> memref<100000x128xf32, #tpu.memory_space<hbm>>
        tpu.enqueue_indirect_dma source(%dma_start3A_308 : memref<100000x128xf32, #tpu.memory_space<hbm>>) target(%dma_start3A_304 : memref<128x128xf32, #tpu.memory_space<vmem>>) offsets(%dma_start3A_305 : memref<128xi32, #tpu.memory_space<vmem>>) semaphore(%arg8 : memref<!tpu.dma_semaphore, #tpu.memory_space<semaphore_mem>>)
        %mul3A_309 = arith.constant 200 : i32
        %mul3A_310 = arith.muli %add3A_295, %mul3A_309 : i32
        %add3A_311 = arith.constant 128 : i32
        %add3A_312 = arith.addi %mul3A_310, %add3A_311 : i32
        %dma_start3A_313 = arith.constant 1 : i32
        %dma_start3A_314 = arith.constant 128 : i32
        %dma_start3A_315 = arith.constant 0 : i32
        %dma_start3A_316 = tpu.memref_slice %arg6[%dma_start3A_313, %dma_start3A_314, %dma_start3A_315] : memref<4x200x128xf32, #tpu.memory_space<vmem>> -> memref<1x72x128xf32, #tpu.memory_space<vmem>>
        %dma_start3A_317 = tpu.memref_squeeze %dma_start3A_316 : memref<1x72x128xf32, #tpu.memory_space<vmem>> -> memref<72x128xf32, #tpu.memory_space<vmem>>
        %dma_start3A_318 = tpu.memref_slice %arg5[%add3A_312] : memref<25600xi32, #tpu.memory_space<vmem>> -> memref<72xi32, #tpu.memory_space<vmem>>
        %dma_start3A_319 = arith.constant 0 : i32
        %dma_start3A_320 = arith.constant 0 : i32
        %dma_start3A_321 = tpu.memref_slice %arg3[%dma_start3A_319, %dma_start3A_320] : memref<100000x128xf32, #tpu.memory_space<hbm>> -> memref<100000x128xf32, #tpu.memory_space<hbm>>
        tpu.enqueue_indirect_dma source(%dma_start3A_321 : memref<100000x128xf32, #tpu.memory_space<hbm>>) target(%dma_start3A_317 : memref<72x128xf32, #tpu.memory_space<vmem>>) offsets(%dma_start3A_318 : memref<72xi32, #tpu.memory_space<vmem>>) semaphore(%arg8 : memref<!tpu.dma_semaphore, #tpu.memory_space<semaphore_mem>>)
      } else {
      }
      %dma_wait3A_255 = arith.constant 3 : i32
      %dma_wait3A_256 = arith.constant 0 : i32
      %dma_wait3A_257 = arith.constant 0 : i32
      %dma_wait3A_258 = tpu.memref_slice %arg6[%dma_wait3A_255, %dma_wait3A_256, %dma_wait3A_257] : memref<4x200x128xf32, #tpu.memory_space<vmem>> -> memref<1x200x128xf32, #tpu.memory_space<vmem>>
      %dma_wait3A_259 = tpu.memref_squeeze %dma_wait3A_258 : memref<1x200x128xf32, #tpu.memory_space<vmem>> -> memref<200x128xf32, #tpu.memory_space<vmem>>
      %dma_wait3A_260 = arith.constant 0 : i32
      %dma_wait3A_261 = arith.constant 0 : i32
      %dma_wait3A_262 = tpu.memref_slice %arg3[%dma_wait3A_260, %dma_wait3A_261] : memref<100000x128xf32, #tpu.memory_space<hbm>> -> memref<200x128xf32, #tpu.memory_space<hbm>>
      %dma_wait3A_263 = arith.constant 0 : i32
      %dma_wait3A_264 = arith.constant 0 : i32
      %dma_wait3A_265 = tpu.memref_slice %arg6[%dma_wait3A_255, %dma_wait3A_263, %dma_wait3A_264] : memref<4x200x128xf32, #tpu.memory_space<vmem>> -> memref<1x200x128xf32, #tpu.memory_space<vmem>>
      %dma_wait3A_266 = tpu.memref_squeeze %dma_wait3A_265 : memref<1x200x128xf32, #tpu.memory_space<vmem>> -> memref<200x128xf32, #tpu.memory_space<vmem>>
      %dma_wait3A_267 = arith.constant 0 : i32
      %dma_wait3A_268 = arith.constant 0 : i32
      %dma_wait3A_269 = tpu.memref_slice %arg3[%dma_wait3A_267, %dma_wait3A_268] : memref<100000x128xf32, #tpu.memory_space<hbm>> -> memref<200x128xf32, #tpu.memory_space<hbm>>
      tpu.wait_dma2 semaphore(%arg10 : memref<!tpu.dma_semaphore, #tpu.memory_space<semaphore_mem>>) src(%dma_wait3A_269 : memref<200x128xf32, #tpu.memory_space<hbm>>) dst(%dma_wait3A_266 : memref<200x128xf32, #tpu.memory_space<vmem>>)
      %add3A_270 = arith.addi %mul3A_2, %add3A_247 : i32
      %dma_start3A_271 = arith.constant 3 : i32
      %dma_start3A_272 = arith.constant 0 : i32
      %dma_start3A_273 = arith.constant 0 : i32
      %dma_start3A_274 = tpu.memref_slice %arg6[%dma_start3A_271, %dma_start3A_272, %dma_start3A_273] : memref<4x200x128xf32, #tpu.memory_space<vmem>> -> memref<1x200x128xf32, #tpu.memory_space<vmem>>
      %dma_start3A_275 = tpu.memref_squeeze %dma_start3A_274 : memref<1x200x128xf32, #tpu.memory_space<vmem>> -> memref<200x128xf32, #tpu.memory_space<vmem>>
      %dma_start3A_276 = arith.constant 0 : i32
      %dma_start3A_277 = arith.constant 0 : i32
      %dma_start3A_278 = tpu.memref_slice %arg4[%add3A_270, %dma_start3A_276, %dma_start3A_277] : memref<4096x200x128xf32, #tpu.memory_space<hbm>> -> memref<1x200x128xf32, #tpu.memory_space<hbm>>
      %dma_start3A_279 = tpu.memref_squeeze %dma_start3A_278 : memref<1x200x128xf32, #tpu.memory_space<hbm>> -> memref<200x128xf32, #tpu.memory_space<hbm>>
      %dma_start3A_280 = arith.constant 0 : i32
      %dma_start3A_281 = arith.constant 0 : i32
      %dma_start3A_282 = tpu.memref_slice %arg4[%add3A_270, %dma_start3A_280, %dma_start3A_281] : memref<4096x200x128xf32, #tpu.memory_space<hbm>> -> memref<1x200x128xf32, #tpu.memory_space<hbm>>
      %dma_start3A_283 = tpu.memref_squeeze %dma_start3A_282 : memref<1x200x128xf32, #tpu.memory_space<hbm>> -> memref<200x128xf32, #tpu.memory_space<hbm>>
      %dma_start3A_284 = arith.constant 0 : i32
      %dma_start3A_285 = arith.constant 0 : i32
      %dma_start3A_286 = tpu.memref_slice %arg6[%dma_start3A_271, %dma_start3A_284, %dma_start3A_285] : memref<4x200x128xf32, #tpu.memory_space<vmem>> -> memref<1x200x128xf32, #tpu.memory_space<vmem>>
      %dma_start3A_287 = tpu.memref_squeeze %dma_start3A_286 : memref<1x200x128xf32, #tpu.memory_space<vmem>> -> memref<200x128xf32, #tpu.memory_space<vmem>>
      tpu.enqueue_dma source(%dma_start3A_287 : memref<200x128xf32, #tpu.memory_space<vmem>>) target(%dma_start3A_283 : memref<200x128xf32, #tpu.memory_space<hbm>>) target_semaphore(%arg14 : memref<!tpu.dma_semaphore, #tpu.memory_space<semaphore_mem>>)
    }
    %scan3A_46 = arith.constant 32 : i32
    %dma_wait3A = arith.constant 0 : i32
    %dma_wait3A_47 = arith.constant 0 : i32
    %dma_wait3A_48 = arith.constant 0 : i32
    %dma_wait3A_49 = tpu.memref_slice %arg6[%dma_wait3A, %dma_wait3A_47, %dma_wait3A_48] : memref<4x200x128xf32, #tpu.memory_space<vmem>> -> memref<1x200x128xf32, #tpu.memory_space<vmem>>
    %dma_wait3A_50 = tpu.memref_squeeze %dma_wait3A_49 : memref<1x200x128xf32, #tpu.memory_space<vmem>> -> memref<200x128xf32, #tpu.memory_space<vmem>>
    %dma_wait3A_51 = arith.constant 0 : i32
    %dma_wait3A_52 = arith.constant 0 : i32
    %dma_wait3A_53 = tpu.memref_slice %arg4[%mul3A_2, %dma_wait3A_51, %dma_wait3A_52] : memref<4096x200x128xf32, #tpu.memory_space<hbm>> -> memref<1x200x128xf32, #tpu.memory_space<hbm>>
    %dma_wait3A_54 = tpu.memref_squeeze %dma_wait3A_53 : memref<1x200x128xf32, #tpu.memory_space<hbm>> -> memref<200x128xf32, #tpu.memory_space<hbm>>
    %dma_wait3A_55 = arith.constant 0 : i32
    %dma_wait3A_56 = arith.constant 0 : i32
    %dma_wait3A_57 = tpu.memref_slice %arg4[%mul3A_2, %dma_wait3A_55, %dma_wait3A_56] : memref<4096x200x128xf32, #tpu.memory_space<hbm>> -> memref<1x200x128xf32, #tpu.memory_space<hbm>>
    %dma_wait3A_58 = tpu.memref_squeeze %dma_wait3A_57 : memref<1x200x128xf32, #tpu.memory_space<hbm>> -> memref<200x128xf32, #tpu.memory_space<hbm>>
    %dma_wait3A_59 = arith.constant 0 : i32
    %dma_wait3A_60 = arith.constant 0 : i32
    %dma_wait3A_61 = tpu.memref_slice %arg6[%dma_wait3A, %dma_wait3A_59, %dma_wait3A_60] : memref<4x200x128xf32, #tpu.memory_space<vmem>> -> memref<1x200x128xf32, #tpu.memory_space<vmem>>
    %dma_wait3A_62 = tpu.memref_squeeze %dma_wait3A_61 : memref<1x200x128xf32, #tpu.memory_space<vmem>> -> memref<200x128xf32, #tpu.memory_space<vmem>>
    tpu.wait_dma2 semaphore(%arg11 : memref<!tpu.dma_semaphore, #tpu.memory_space<semaphore_mem>>) src(%dma_wait3A_62 : memref<200x128xf32, #tpu.memory_space<vmem>>) dst(%dma_wait3A_58 : memref<200x128xf32, #tpu.memory_space<hbm>>)
    %dma_wait3A_63 = arith.constant 1 : i32
    %dma_wait3A_64 = arith.constant 0 : i32
    %dma_wait3A_65 = arith.constant 0 : i32
    %dma_wait3A_66 = tpu.memref_slice %arg6[%dma_wait3A_63, %dma_wait3A_64, %dma_wait3A_65] : memref<4x200x128xf32, #tpu.memory_space<vmem>> -> memref<1x200x128xf32, #tpu.memory_space<vmem>>
    %dma_wait3A_67 = tpu.memref_squeeze %dma_wait3A_66 : memref<1x200x128xf32, #tpu.memory_space<vmem>> -> memref<200x128xf32, #tpu.memory_space<vmem>>
    %dma_wait3A_68 = arith.constant 0 : i32
    %dma_wait3A_69 = arith.constant 0 : i32
    %dma_wait3A_70 = tpu.memref_slice %arg4[%mul3A_2, %dma_wait3A_68, %dma_wait3A_69] : memref<4096x200x128xf32, #tpu.memory_space<hbm>> -> memref<1x200x128xf32, #tpu.memory_space<hbm>>
    %dma_wait3A_71 = tpu.memref_squeeze %dma_wait3A_70 : memref<1x200x128xf32, #tpu.memory_space<hbm>> -> memref<200x128xf32, #tpu.memory_space<hbm>>
    %dma_wait3A_72 = arith.constant 0 : i32
    %dma_wait3A_73 = arith.constant 0 : i32
    %dma_wait3A_74 = tpu.memref_slice %arg4[%mul3A_2, %dma_wait3A_72, %dma_wait3A_73] : memref<4096x200x128xf32, #tpu.memory_space<hbm>> -> memref<1x200x128xf32, #tpu.memory_space<hbm>>
    %dma_wait3A_75 = tpu.memref_squeeze %dma_wait3A_74 : memref<1x200x128xf32, #tpu.memory_space<hbm>> -> memref<200x128xf32, #tpu.memory_space<hbm>>
    %dma_wait3A_76 = arith.constant 0 : i32
    %dma_wait3A_77 = arith.constant 0 : i32
    %dma_wait3A_78 = tpu.memref_slice %arg6[%dma_wait3A_63, %dma_wait3A_76, %dma_wait3A_77] : memref<4x200x128xf32, #tpu.memory_space<vmem>> -> memref<1x200x128xf32, #tpu.memory_space<vmem>>
    %dma_wait3A_79 = tpu.memref_squeeze %dma_wait3A_78 : memref<1x200x128xf32, #tpu.memory_space<vmem>> -> memref<200x128xf32, #tpu.memory_space<vmem>>
    tpu.wait_dma2 semaphore(%arg12 : memref<!tpu.dma_semaphore, #tpu.memory_space<semaphore_mem>>) src(%dma_wait3A_79 : memref<200x128xf32, #tpu.memory_space<vmem>>) dst(%dma_wait3A_75 : memref<200x128xf32, #tpu.memory_space<hbm>>)
    %dma_wait3A_80 = arith.constant 2 : i32
    %dma_wait3A_81 = arith.constant 0 : i32
    %dma_wait3A_82 = arith.constant 0 : i32
    %dma_wait3A_83 = tpu.memref_slice %arg6[%dma_wait3A_80, %dma_wait3A_81, %dma_wait3A_82] : memref<4x200x128xf32, #tpu.memory_space<vmem>> -> memref<1x200x128xf32, #tpu.memory_space<vmem>>
    %dma_wait3A_84 = tpu.memref_squeeze %dma_wait3A_83 : memref<1x200x128xf32, #tpu.memory_space<vmem>> -> memref<200x128xf32, #tpu.memory_space<vmem>>
    %dma_wait3A_85 = arith.constant 0 : i32
    %dma_wait3A_86 = arith.constant 0 : i32
    %dma_wait3A_87 = tpu.memref_slice %arg4[%mul3A_2, %dma_wait3A_85, %dma_wait3A_86] : memref<4096x200x128xf32, #tpu.memory_space<hbm>> -> memref<1x200x128xf32, #tpu.memory_space<hbm>>
    %dma_wait3A_88 = tpu.memref_squeeze %dma_wait3A_87 : memref<1x200x128xf32, #tpu.memory_space<hbm>> -> memref<200x128xf32, #tpu.memory_space<hbm>>
    %dma_wait3A_89 = arith.constant 0 : i32
    %dma_wait3A_90 = arith.constant 0 : i32
    %dma_wait3A_91 = tpu.memref_slice %arg4[%mul3A_2, %dma_wait3A_89, %dma_wait3A_90] : memref<4096x200x128xf32, #tpu.memory_space<hbm>> -> memref<1x200x128xf32, #tpu.memory_space<hbm>>
    %dma_wait3A_92 = tpu.memref_squeeze %dma_wait3A_91 : memref<1x200x128xf32, #tpu.memory_space<hbm>> -> memref<200x128xf32, #tpu.memory_space<hbm>>
    %dma_wait3A_93 = arith.constant 0 : i32
    %dma_wait3A_94 = arith.constant 0 : i32
    %dma_wait3A_95 = tpu.memref_slice %arg6[%dma_wait3A_80, %dma_wait3A_93, %dma_wait3A_94] : memref<4x200x128xf32, #tpu.memory_space<vmem>> -> memref<1x200x128xf32, #tpu.memory_space<vmem>>
    %dma_wait3A_96 = tpu.memref_squeeze %dma_wait3A_95 : memref<1x200x128xf32, #tpu.memory_space<vmem>> -> memref<200x128xf32, #tpu.memory_space<vmem>>
    tpu.wait_dma2 semaphore(%arg13 : memref<!tpu.dma_semaphore, #tpu.memory_space<semaphore_mem>>) src(%dma_wait3A_96 : memref<200x128xf32, #tpu.memory_space<vmem>>) dst(%dma_wait3A_92 : memref<200x128xf32, #tpu.memory_space<hbm>>)
    %dma_wait3A_97 = arith.constant 3 : i32
    %dma_wait3A_98 = arith.constant 0 : i32
    %dma_wait3A_99 = arith.constant 0 : i32
    %dma_wait3A_100 = tpu.memref_slice %arg6[%dma_wait3A_97, %dma_wait3A_98, %dma_wait3A_99] : memref<4x200x128xf32, #tpu.memory_space<vmem>> -> memref<1x200x128xf32, #tpu.memory_space<vmem>>
    %dma_wait3A_101 = tpu.memref_squeeze %dma_wait3A_100 : memref<1x200x128xf32, #tpu.memory_space<vmem>> -> memref<200x128xf32, #tpu.memory_space<vmem>>
    %dma_wait3A_102 = arith.constant 0 : i32
    %dma_wait3A_103 = arith.constant 0 : i32
    %dma_wait3A_104 = tpu.memref_slice %arg4[%mul3A_2, %dma_wait3A_102, %dma_wait3A_103] : memref<4096x200x128xf32, #tpu.memory_space<hbm>> -> memref<1x200x128xf32, #tpu.memory_space<hbm>>
    %dma_wait3A_105 = tpu.memref_squeeze %dma_wait3A_104 : memref<1x200x128xf32, #tpu.memory_space<hbm>> -> memref<200x128xf32, #tpu.memory_space<hbm>>
    %dma_wait3A_106 = arith.constant 0 : i32
    %dma_wait3A_107 = arith.constant 0 : i32
    %dma_wait3A_108 = tpu.memref_slice %arg4[%mul3A_2, %dma_wait3A_106, %dma_wait3A_107] : memref<4096x200x128xf32, #tpu.memory_space<hbm>> -> memref<1x200x128xf32, #tpu.memory_space<hbm>>
    %dma_wait3A_109 = tpu.memref_squeeze %dma_wait3A_108 : memref<1x200x128xf32, #tpu.memory_space<hbm>> -> memref<200x128xf32, #tpu.memory_space<hbm>>
    %dma_wait3A_110 = arith.constant 0 : i32
    %dma_wait3A_111 = arith.constant 0 : i32
    %dma_wait3A_112 = tpu.memref_slice %arg6[%dma_wait3A_97, %dma_wait3A_110, %dma_wait3A_111] : memref<4x200x128xf32, #tpu.memory_space<vmem>> -> memref<1x200x128xf32, #tpu.memory_space<vmem>>
    %dma_wait3A_113 = tpu.memref_squeeze %dma_wait3A_112 : memref<1x200x128xf32, #tpu.memory_space<vmem>> -> memref<200x128xf32, #tpu.memory_space<vmem>>
    tpu.wait_dma2 semaphore(%arg14 : memref<!tpu.dma_semaphore, #tpu.memory_space<semaphore_mem>>) src(%dma_wait3A_113 : memref<200x128xf32, #tpu.memory_space<vmem>>) dst(%dma_wait3A_109 : memref<200x128xf32, #tpu.memory_space<hbm>>)
    return
  }
}

</mosaic_0001>

<sc_bundles>
// kernel: kernel.3.cloned.1.call-start
scs
__scs_entry_jumppad:
0x0: {  	(pc) =	sbr.rel $0x88, $3  }
0x1: {  	(tag) =	ssettag $0x0;
	lr =	simm.s32 $0x1  }
0x2: {  	[smem:$0x3F9F] =	sst lr;
	_ =	strace $0xD0000000  }
0x3: {  	_ = 	snop  }
0x4: {  	_ = 	snop  }
0x5: {  	_ = 	snop  }
0x6: {  	_ = 	snop  }
0x7: {  	_ = 	snop  }
__scs_overlays_trampoline_lowered:
0x8: {  	[smem:$0x3FAE] =	sst s0  }
0x9: {  	[smem:$0x3FAF] =	sst s1  }
0xa: {  	[smem:$0x3FB0] =	sst s2  }
0xb: {  	[smem:$0x3FB1] =	sst s3  }
0xc: {  	[smem:$0x3FB2] =	sst s4  }
0xd: {  	[smem:$0x3FB3] =	sst s5  }
0xe: {  	[smem:$0x3FB4] =	sst s6  }
0xf: {  	[smem:$0x3FB5] =	sst s7  }
0x10: {  	[smem:$0x3FB6] =	sst s8  }
0x11: {  	[smem:$0x3FB7] =	sst s9;
	s0 =	simm.s32 @!p0 $0x0  }
0x12: {  	s1 =	sld [smem:$0x3F9D];
	s0 =	simm.s32 @p0 $0x1  }
0x13: {  	[smem:$0x3FB8] =	sst s0;
	s0 =	simm.s32 @!p1 $0x0  }
0x14: {  	s2 =	sld [smem:$0x3F9C];
	s0 =	simm.s32 @p1 $0x1  }
0x15: {  	[smem:$0x3FB9] =	sst s0;
	s0 =	simm.s32 @!p2 $0x0  }
0x16: {  	s3 =	sld [smem:$0x3FDB];
	s0 =	simm.s32 @p2 $0x1  }
0x17: {  	s4 =	simm.s32 $0x1BF5;
	[smem:$0x3FBB] =	sst s0  }
0x18: {  	s0 =	sld [smem:$0x3F9E];
	_ =	swait.ge [sflag:s4], $0x0  }
0x19: {  	s7 =	sld [smem:$0x3F9F]  }
0x1a: {  	s8 =	sadd.s32 $0xFFFFE003, lr  }
0x1b: {  	s9 =	sadd.s32 $0xFFFFFEF7, lr;
	s5 =	simm.s32 $0xFFFFFFFF;
	p2 =	slt.u32 s8, $0xFFFFF086  }
0x1c: {  	p1 =	slt.u32 s9, $0xF7A;
	s5 =	simm.s32 @!p2 $0x0  }
0x1d: {  	s5 =	simm.s32 @p1 $0x1;
	p0 =	seq.s32 s7, s2  }
0x1e: {  	s7 =	smul.u32 @!p0 $0xF7A, s2;
	p2 =	seq.s32 @!p0 s5, $0x0  }
0x1f: {  	s9 =	smul.u32 $0xF7A, s1;
	s8 =	simm.s32 @!p0 $0x1BF5;
	p2 =	por !p2, p0  }
0x20: {  	[sflag:s8] =	ssyncset.s32 @!p0 $0xFFFFF086;
	s6 =	sadd.s32 @!p0 s3, s7;
	s7 =	simm.s32 @!p0 $0x108  }
0x21: {  	s3 =	sadd.s32 s3, s9;
	s6 =	sadd.s32 @!p0 $0x88, s6;
	s7 =	simm.s32 @p2 $0x1082  }
0x22: {  	[simem:s7], [sflag:s8] =	dma.local @!p0 [hbm:s6], $0xF7A  }
0x23: {  	s9 =	sor.u32 $0xD0000000, s2;
	s6 =	simm.s32 $0x108;
	_ =	swait.ge @!p0 [sflag:s8], $0x0  }
0x24: {  	s3 =	sadd.s32 $0x88, s3;
	s6 =	simm.s32 @!p1 $0x1082;
	[sflag:s4] =	ssyncset.s32 $0xFFFFF086  }
0x25: {  	[simem:s6], [sflag:s4] =	dma.local [hbm:s3], $0xF7A  }
0x26: {  	[smem:$0x3F9F] =	sst s1;
	(tag) =	ssettag s2;
	_ =	strace s9  }
0x27: {  	s1 =	sld [smem:$0x3FAF]  }
0x28: {  	s2 =	sld [smem:$0x3FB0]  }
0x29: {  	s4 =	sld [smem:$0x3FB2]  }
0x2a: {  	p0 =	seq.s32 s5, $0x0;
	s5 =	sld [smem:$0x3FB3]  }
0x2b: {  	s6 =	sld [smem:$0x3FB4]  }
0x2c: {  	s7 =	sld [smem:$0x3FB5]  }
0x2d: {  	s3 =	simm.s32 $0x108;
	s8 =	sld [smem:$0x3FB6]  }
0x2e: {  	s3 =	simm.s32 @!p0 $0x1082;
	s9 =	sld [smem:$0x3FB7]  }
0x2f: {  	lr =	sadd.s32 s0, s3;
	s0 =	sld [smem:$0x3FAE]  }
0x30: {  	s3 =	sld [smem:$0x3FB1]  }
0x31: {  	[smem:$0x3FBA] =	sst s10  }
0x32: {  	s10 =	sld [smem:$0x3FB8];
	_ =	sdelay $0x3  }
0x33: {  	p0 =	seq.s32 s10, $0x1;
	s10 =	sld [smem:$0x3FBA];
	_ =	sdelay $0x3  }
0x34: {  	[smem:$0x3FBA] =	sst s10  }
0x35: {  	s10 =	sld [smem:$0x3FB9];
	_ =	sdelay $0x3  }
0x36: {  	p1 =	seq.s32 s10, $0x1;
	s10 =	sld [smem:$0x3FBA];
	_ =	sdelay $0x3  }
0x37: {  	[smem:$0x3FBA] =	sst s10  }
0x38: {  	s10 =	sld [smem:$0x3FBB]  }
0x39: {  	_ = 	snop;
	(pc) =	sbr.ind lr, $3  }
0x3a: {  	_ = 	snop  }
0x3b: {  	_ = 	snop  }
0x3c: {  	p2 =	seq.s32 s10, $0x1;
	s10 =	sld [smem:$0x3FBA]  }
0x3d: {  	_ =	shalt  }
0x3e: {  	_ =	shalt  }
0x3f: {  	_ =	shalt  }
0x40: {  	_ =	shalt  }
0x41: {  	_ =	shalt  }
0x42: {  	_ =	shalt  }
0x43: {  	_ =	shalt  }
0x44: {  	_ =	shalt  }
0x45: {  	_ =	shalt  }
0x46: {  	_ =	shalt  }
0x47: {  	_ =	shalt  }
0x48: {  	_ =	shalt  }
0x49: {  	_ =	shalt  }
0x4a: {  	_ =	shalt  }
0x4b: {  	_ =	shalt  }
0x4c: {  	_ =	shalt  }
0x4d: {  	_ =	shalt  }
0x4e: {  	_ =	shalt  }
0x4f: {  	_ =	shalt  }
0x50: {  	_ =	shalt  }
0x51: {  	_ =	shalt  }
0x52: {  	_ =	shalt  }
0x53: {  	_ =	shalt  }
0x54: {  	_ =	shalt  }
0x55: {  	_ =	shalt  }
0x56: {  	_ =	shalt  }
0x57: {  	_ =	shalt  }
0x58: {  	_ =	shalt  }
0x59: {  	_ =	shalt  }
0x5a: {  	_ =	shalt  }
0x5b: {  	_ =	shalt  }
0x5c: {  	_ =	shalt  }
0x5d: {  	_ =	shalt  }
0x5e: {  	_ =	shalt  }
0x5f: {  	_ =	shalt  }
0x60: {  	_ =	shalt  }
0x61: {  	_ =	shalt  }
0x62: {  	_ =	shalt  }
0x63: {  	_ =	shalt  }
0x64: {  	_ =	shalt  }
0x65: {  	_ =	shalt  }
0x66: {  	_ =	shalt  }
0x67: {  	_ =	shalt  }
0x68: {  	_ =	shalt  }
0x69: {  	_ =	shalt  }
0x6a: {  	_ =	shalt  }
0x6b: {  	_ =	shalt  }
0x6c: {  	_ =	shalt  }
0x6d: {  	_ =	shalt  }
0x6e: {  	_ =	shalt  }
0x6f: {  	_ =	shalt  }
0x70: {  	_ =	shalt  }
0x71: {  	_ =	shalt  }
0x72: {  	_ =	shalt  }
0x73: {  	_ =	shalt  }
0x74: {  	_ =	shalt  }
0x75: {  	_ =	shalt  }
0x76: {  	_ =	shalt  }
0x77: {  	_ =	shalt  }
0x78: {  	_ =	shalt  }
0x79: {  	_ =	shalt  }
0x7a: {  	_ =	shalt  }
0x7b: {  	_ =	shalt  }
0x7c: {  	_ =	shalt  }
0x7d: {  	_ =	shalt  }
0x7e: {  	_ =	shalt  }
0x7f: {  	_ =	shalt  }
0x80: {  	_ =	shalt  }
0x81: {  	_ =	shalt  }
0x82: {  	_ =	shalt  }
0x83: {  	_ =	shalt  }
0x84: {  	_ =	shalt  }
0x85: {  	_ =	shalt  }
0x86: {  	_ =	shalt  }
0x87: {  	_ =	shalt  }
.Lfunc_end0:
.L_simem_size_0:
called_computation.1_lowered:
.L_overlay_start_0:
0x88: {  	s2 =	sld [smem:$0x3FD9]  }
0x89: {  	s3 =	sld [smem:$0x3FFE];
	_ =	sdelay $0x1  }
0x8a: {  	s1 =	srdreg.scid  }
0x8b: {  	s0 =	sand.u32 $0x1, s1  }
0x8c: {  	s16 =	sshll.u32 s0, $0xA;
	s2 =	sadd.s32 s3, s2  }
0x8d: {  	s2 =	sadd.s32 s2, s16  }
0x8e: {  	[smem:$0x3FC6] =	sst s2  }
0x8f: {  	_ = 	snop  }
0x90: {  	(tm) =	ssettm $0x1  }
0x91: {  	s17 =	sld [smem:$0x3FFB];
	_ =	sdelay $0x3  }
0x92: {  	_ =	strace s17  }
0x93: {  	s2 =	sld [smem:$0x3FFC];
	_ =	sdelay $0x3  }
0x94: {  	_ =	strace s2  }
0x95: {  	s2 =	sld [smem:$0x3FFD];
	_ =	sdelay $0x3  }
0x96: {  	_ =	strace s2  }
0x97: {  	_ =	strace $0x8FFFFFFF  }
0x98: {  	s18 =	sld [smem:$0x3FDB];
	_ =	sdelay $0x1  }
0x99: {  	s19 =	simm.s32 $_scs_section_size  }
0x9a: {  	s4 =	simm.s32 $_size__tile_overlayer_lowered;
	s5 =	simm.s32 $_tile_overlayer_lowered  }
0x9b: {  	s22 =	simm.s32 $0x1BFF;
	s21 =	sshll.u32 s5, $0x1;
	s2 =	sadd.s32 s19, s18  }
0x9c: {  	s6 =	simm.s32 $0x0;
	s20 =	sshll.u32 s4, $0x1;
	s4 =	sadd.s32 s21, s2  }
0x9d: {  	[timem:s6], [sflag:s22] =	dma.local [hbm:s4], s20  }
0x9e: {  	_ =	swait.ge [sflag:s22], s20  }
0x9f: {  	s3 =	ssub.s32 $0x0, s20;
	[sflag:s22] =	ssyncset.done $0x0  }
0xa0: {  	[sflag:s22] =	ssyncadd.s32 s3;
	_ =	sdelay $0x1  }
0xa1: {  	s23 =	simm.s32 $0x1B8B  }
0xa2: {  	_ =	swait.ge [sflag:s23], $0x1  }
0xa3: {  	[sflag:s23] =	ssyncset.done $0x0  }
0xa4: {  	s25 =	simm.s32 $0x1B8E;
	s24 =	sld [smem:$0x3FFE];
	[sflag:s23] =	ssyncadd.s32 $0xFFFFFFFF  }
0xa5: {  	s26 =	simm.s32 $execute0_lowered;
	[smem:$0x3FD2] =	sst s25  }
0xa6: {  	s4 =	sshll.u32 s26, $0x1;
	_ =	strace $0x80000046;
	[dreg:$0x1] =	wrdreg $0xFFFFFFFF  }
0xa7: {  	s28 =	simm.s32 $_size_execute0_lowered;
	s2 =	sadd.s32 s2, s4;
	[dreg:$0x0] =	wrdreg $0x0  }
0xa8: {  	s4 =	sshll.u32 s28, $0x1;
	[dreg:$0x2] =	wrdreg s2  }
0xa9: {  	[dreg:$0x3] =	wrdreg s4  }
0xaa: {  	[dreg:$0x4] =	wrdreg $0xC0  }
0xab: {  	_ =	task [dreg:s6], $0x5FFFF  }
0xac: {  	[dreg:$0x1] =	wrdreg $0xFFFFFFFF  }
0xad: {  	[dreg:$0x0] =	wrdreg $0x60  }
0xae: {  	[dreg:$0x2] =	wrdreg s24  }
0xaf: {  	[dreg:$0x3] =	wrdreg $0x9  }
0xb0: {  	_ =	task.clear_ibuf [dreg:s6], $0x4FFFF;
	_ =	strace $0x90000046  }
0xb1: {  	s29 =	simm.s32 $0x9;
	_ =	strace $0x80000048  }
0xb2: {  	_ =	swait.ge [sflag:s29], $0x1  }
0xb3: {  	[sflag:s29] =	ssyncadd.s32 $0xFFFFFFFF  }
0xb4: {  	_ =	strace $0x90000048  }
0xb5: {  	_ =	sfence  }
0xb6: {  	s30 =	sld [smem:$0x0];
	_ =	sdelay $0x2  }
0xb7: {  	s31 =	sshll.u32 s1, $0xD;
	s1 =	sshrl.u32 s1, $0x2  }
0xb8: {  	s3 =	sand.u32 $0x4000, s31;
	s1 =	sadd.s32 s1, s30  }
0xb9: {  	s0 =	sor.u32 s3, s0;
	s1 =	sshll.u32 s1, $0x11  }
0xba: {  	s0 =	sor.u32 s1, s0  }
0xbb: {  	s0 =	sadd.s32 $0x8F2B, s0  }
0xbc: {  	[sflag:s0] =	ssyncadd.remote.s32 $0x1  }
0xbd: {  	_ =	sfence.sel $0xFFFF  }
0xbe: {  	[dreg:$0x0] =	wrdreg $0xFFFFFFFF;
	(pc) =	sbr.abs _section_cstart, $3  }
0xbf: {  	[dreg:$0x1] =	wrdreg $0xFFFFFFFF  }
0xc0: {  	_ =	task.clear_ibuf [dreg:s6], $0x2FFFF;
	_ =	strace $0x9FFFFFFF  }
0xc1: {  	(tm) =	ssettm $0x7FFFFFFF  }
tec
execute0_lowered:
.L_overlay_start_1:
0x0: {  	(tag) =	ssettag $0x1  }
0x1: {  	s1 =	srdreg.scid  }
0x2: {  	s0 =	stileid.u32;
	s5 =	rddreg [dreg:$0x0]  }
0x3: {  	s10 =	simm.s32 $0x6400;
	s11 =	simm.s32 $0x48;
	s14 =	simm.s32 $0xC800  }
0x4: {  	s29 =	simm.s32 $0x12C00;
	s30 =	simm.s32 $0x16C00;
	s17 =	simm.s32 $0x1  }
0x5: {  	s31 =	simm.s32 $0x1D000;
	s18 =	simm.s32 $0x19000;
	s19 =	simm.s32 $0x2  }
0x6: {  	s20 =	simm.s32 $0x4;
	s21 =	simm.s32 $0x5;
	s22 =	simm.s32 $0x6  }
0x7: {  	s23 =	simm.s32 $0x7;
	s24 =	simm.s32 $0x8;
	s25 =	simm.s32 $0x0  }
0x8: {  	s1 =	sand.u32 $0x1, s1;
	s4 =	sshrl.u32 s0, $0x2;
	s9 =	smul.u32 $0xC8000, s0  }
0x9: {  	s2 =	sshll.u32 s0, $0x8;
	s3 =	sshll.u32 s1, $0x7;
	s4 =	smul.u32 $0x32000, s4  }
0xa: {  	s7 =	ssub.s32 $0x2, s1;
	s1 =	smul.u32 $0x64000, s1;
	s3 =	sor.u32 s3, s2  }
0xb: {  	s2 =	simm.s32 $0x0;
	s8 =	sshrl.u32 s7, $0x1;
	s6 =	sand.u32 $0x380, s3  }
0xc: {  	[smem:$0x7FF] =	sst s2;
	s26 =	smul.u32 $0xC80, s3;
	s3 =	sadd.s32 $0x19800, s5  }
0xd: {  	s4 =	sor.u32 s4, s6;
	_ =	strace $0x80000047;
	[dreg:$0x2] =	wrdreg s29  }
0xe: {  	s7 =	ssub.s32 s7, s8;
	[dreg:$0x3] =	wrdreg s30;
	s4 =	sshrl.u32 s4, $0x3  }
0xf: {  	[dreg:$0x4] =	wrdreg s31;
	s4 =	sadd.s32 s4, s5;
	s5 =	sadd.s32 $0x1A0200, s5  }
0x10: {  	s6 =	sadd.s32 s26, s5;
	s4 =	sadd.s32 $0x800, s4;
	s28 =	sadd.s32 s9, s5  }
0x11: {  	s5 =	smax.u32 s7, $0x1;
	s7 =	simm.s32 $0x80;
	s6 =	sadd.s32 $0x62700, s6  }
0x12: {  	s9 =	simm.s32 $0x9;
	[dreg:$0x5] =	wrdreg s6;
	s6 =	sadd.s32 s1, s28  }
.LBB2_1:
0x13: {  	s0 =	simm.s32 $0x400  }
0x14: {  	[tilespmem:s2], [sflag:$0x9] =	stream.strided.gather [hbm4b:s4+s7], $0x6400, s0, s7, $0x38;
	[tilespmem:$0x1F400] =	vst v63  }
0x15: {  	_ =	swait.ge [sflag:s9], $0x6400  }
0x16: {  	[sflag:s9] =	ssyncset.done $0x0  }
0x17: {  	[sflag:s9] =	ssyncadd.s32 $0xFFFF9C00  }
0x18: {  	[tilespmem:s10], [sflag:$0x1] =	stream.indirect.gather [hbm4b:s3+s7], $0x80, s2, s7, $0xb8;
	[tilespmem:$0x1F400] =	vst v63  }
0x19: {  	s16 =	simm.s32 $0xA400  }
0x1a: {  	[tilespmem:s16], [sflag:$0x1] =	stream.indirect.gather [hbm4b:s3+s11], $0x80, s7, s11, $0xb8;
	[tilespmem:$0x1F400] =	vst v63  }
0x1b: {  	s26 =	simm.s32 $0xC8;
	p0 =	por $0x1, $0x1  }
0x1c: {  	[tilespmem:s14], [sflag:$0x2] =	stream.indirect.gather [hbm4b:s3+s7], $0x80, s26, s7, $0xb8;
	[tilespmem:$0x1F400] =	vst v63  }
0x1d: {  	s30 =	simm.s32 $0x148;
	s1 =	simm.s32 $0x10800;
	p0 =	por p0, p0  }
0x1e: {  	[tilespmem:s1], [sflag:$0x2] =	stream.indirect.gather [hbm4b:s3+s11], $0x80, s30, s11, $0xb8;
	[tilespmem:$0x1F400] =	vst v63  }
0x1f: {  	s1 =	simm.s32 @!p0 $0x7  }
0x20: {  	_ =	swait.ge @!p0 [sflag:s1], $0x6400  }
0x21: {  	[sflag:s1] =	ssyncset.done @!p0 $0x0  }
0x22: {  	s8 =	simm.s32 $0x190;
	s26 =	rddreg [dreg:$0x2];
	[sflag:s1] =	ssyncadd.s32 @!p0 $0xFFFF9C00  }
0x23: {  	[tilespmem:s26], [sflag:$0x3] =	stream.indirect.gather [hbm4b:s3+s7], $0x80, s8, s7, $0xb8;
	[tilespmem:$0x1F400] =	vst v63  }
0x24: {  	s12 =	simm.s32 $0x210;
	s28 =	rddreg [dreg:$0x3]  }
0x25: {  	[tilespmem:s28], [sflag:$0x3] =	stream.indirect.gather [hbm4b:s3+s11], $0x80, s12, s11, $0xb8;
	[tilespmem:$0x1F400] =	vst v63  }
0x26: {  	_ =	swait.ge [sflag:s17], $0x6400  }
0x27: {  	[sflag:s17] =	ssyncset.done $0x0  }
0x28: {  	s1 =	simm.s32 @!p0 $0x8;
	[sflag:s17] =	ssyncadd.s32 $0xFFFF9C00  }
0x29: {  	[hbm4b:s6+s2] =	stream.linear.scatter [tilespmem:s10], [sflag:$0x5], $0x6400, $0x38;
	[tilespmem:$0x1F400] =	vst v63  }
0x2a: {  	_ =	swait.ge @!p0 [sflag:s1], $0x6400  }
0x2b: {  	[sflag:s1] =	ssyncset.done @!p0 $0x0  }
0x2c: {  	s13 =	simm.s32 $0x258;
	[sflag:s1] =	ssyncadd.s32 @!p0 $0xFFFF9C00  }
0x2d: {  	[tilespmem:s18], [sflag:$0x4] =	stream.indirect.gather [hbm4b:s3+s7], $0x80, s13, s7, $0xb8;
	[tilespmem:$0x1F400] =	vst v63  }
0x2e: {  	s16 =	simm.s32 $0x2D8;
	s15 =	rddreg [dreg:$0x4]  }
0x2f: {  	[tilespmem:s15], [sflag:$0x4] =	stream.indirect.gather [hbm4b:s3+s11], $0x80, s16, s11, $0xb8;
	[tilespmem:$0x1F400] =	vst v63  }
0x30: {  	_ =	swait.ge [sflag:s19], $0x6400  }
0x31: {  	p0 =	por $0x0, $0x0;
	[sflag:s19] =	ssyncset.done $0x0  }
0x32: {  	s30 =	sadd.s32 $0xC80, s6;
	s1 =	simm.s32 @p0 $0x3;
	[sflag:s19] =	ssyncadd.s32 $0xFFFF9C00  }
0x33: {  	[hbm4b:s30+s2] =	stream.linear.scatter [tilespmem:s14], [sflag:$0x6], $0x6400, $0x38;
	[tilespmem:$0x1F400] =	vst v63  }
0x34: {  	_ =	swait.ge @p0 [sflag:s1], $0x6400  }
0x35: {  	s28 =	simm.s32 @p0 $0x12C00;
	s29 =	simm.s32 @!p0 $0x5;
	[sflag:s1] =	ssyncset.done @p0 $0x0  }
0x36: {  	s26 =	rddreg [dreg:$0x5];
	[sflag:s1] =	ssyncadd.s32 @p0 $0xFFFF9C00;
	s1 =	simm.s32 @p0 $0x0  }
0x37: {  	[hbm4b:s26+s1] =	stream.linear.scatter @p0 [tilespmem:s28], [sflag:$0x7], $0x6400, $0x38;
	[tilespmem:$0x1F400] =	vst v63  }
0x38: {  	_ =	swait.ge @!p0 [sflag:s29], $0x6400  }
0x39: {  	s30 =	simm.s32 @!p0 $0x80;
	s1 =	simm.s32 @!p0 $0x320;
	[sflag:s29] =	ssyncset.done @!p0 $0x0  }
0x3a: {  	s26 =	simm.s32 @!p0 $0x3A0;
	s28 =	simm.s32 @!p0 $0x6400;
	[sflag:s29] =	ssyncadd.s32 @!p0 $0xFFFF9C00  }
0x3b: {  	[tilespmem:s28], [sflag:$0x1] =	stream.indirect.gather @!p0 [hbm4b:s3+s30], $0x80, s1, s30, $0xb8;
	[tilespmem:$0x1F400] =	vst v63  }
0x3c: {  	s29 =	simm.s32 @!p0 $0x3;
	s1 =	simm.s32 @!p0 $0x48;
	s28 =	simm.s32 @!p0 $0xA400  }
0x3d: {  	[tilespmem:s28], [sflag:$0x1] =	stream.indirect.gather @!p0 [hbm4b:s3+s1], $0x80, s26, s1, $0xb8;
	[tilespmem:$0x1F400] =	vst v63  }
0x3e: {  	_ =	swait.ge @!p0 [sflag:s29], $0x6400  }
0x3f: {  	s26 =	simm.s32 @!p0 $0x12C00;
	[sflag:s29] =	ssyncset.done @!p0 $0x0  }
0x40: {  	s28 =	sadd.s32 @!p0 $0x1900, s6;
	[sflag:s29] =	ssyncadd.s32 @!p0 $0xFFFF9C00;
	s29 =	simm.s32 @!p0 $0x0  }
0x41: {  	[hbm4b:s28+s29] =	stream.linear.scatter @!p0 [tilespmem:s26], [sflag:$0x7], $0x6400, $0x38;
	[tilespmem:$0x1F400] =	vst v63  }
0x42: {  	s26 =	simm.s32 @!p0 $0x6  }
0x43: {  	_ =	swait.ge @!p0 [sflag:s26], $0x6400  }
0x44: {  	p1 =	por $0x0, $0x0;
	s28 =	simm.s32 $0xC80;
	[sflag:s26] =	ssyncset.done @!p0 $0x0  }
0x45: {  	s29 =	simm.s32 @!p0 $0x3E8;
	[sflag:s26] =	ssyncadd.s32 @!p0 $0xFFFF9C00;
	s26 =	simm.s32 @!p0 $0xC800  }
0x46: {  	[tilespmem:s26], [sflag:$0x2] =	stream.indirect.gather @!p0 [hbm4b:s3+s30], $0x80, s29, s30, $0xb8;
	[tilespmem:$0x1F400] =	vst v63  }
0x47: {  	s29 =	simm.s32 $0x1900;
	s26 =	simm.s32 @!p0 $0x468;
	s30 =	simm.s32 @!p0 $0x10800  }
0x48: {  	[tilespmem:s30], [sflag:$0x2] =	stream.indirect.gather @!p0 [hbm4b:s3+s1], $0x80, s26, s1, $0xb8;
	[tilespmem:$0x1F400] =	vst v63  }
0x49: {  	p0 =	por p1, p1;
	s26 =	sadd.s32 $0x3200, s6;
	_ =	swait.ge [sflag:s20], $0x6400  }
0x4a: {  	s1 =	sadd.s32 $0x2580, s6;
	s31 =	simm.s32 @!p0 $0x7;
	[sflag:s20] =	ssyncset.done $0x0  }
.LBB2_2:
0x4b: {  	[sflag:s20] =	ssyncadd.s32 $0xFFFF9C00  }
0x4c: {  	[hbm4b:s1+s2] =	stream.linear.scatter [tilespmem:s18], [sflag:$0x8], $0x6400, $0x38;
	[tilespmem:$0x1F400] =	vst v63  }
0x4d: {  	_ =	swait.ge @!p0 [sflag:s31], $0x6400  }
0x4e: {  	s8 =	sshra.s32 s28, $0x2;
	[sflag:s31] =	ssyncset.done @!p0 $0x0  }
0x4f: {  	s15 =	rddreg [dreg:$0x2];
	[sflag:s31] =	ssyncadd.s32 @!p0 $0xFFFF9C00;
	s31 =	sadd.s32 $0x190, s8  }
0x50: {  	[tilespmem:s15], [sflag:$0x3] =	stream.indirect.gather [hbm4b:s3+s7], $0x80, s31, s7, $0xb8;
	[tilespmem:$0x1F400] =	vst v63  }
0x51: {  	s16 =	sadd.s32 $0x210, s8;
	s12 =	rddreg [dreg:$0x3]  }
0x52: {  	[tilespmem:s12], [sflag:$0x3] =	stream.indirect.gather [hbm4b:s3+s11], $0x80, s16, s11, $0xb8;
	[tilespmem:$0x1F400] =	vst v63  }
0x53: {  	_ =	swait.ge [sflag:s17], $0x6400  }
0x54: {  	[sflag:s17] =	ssyncset.done $0x0  }
0x55: {  	s1 =	simm.s32 @!p0 $0x8;
	[sflag:s17] =	ssyncadd.s32 $0xFFFF9C00  }
0x56: {  	[hbm4b:s26+s2] =	stream.linear.scatter [tilespmem:s10], [sflag:$0x5], $0x6400, $0x38;
	[tilespmem:$0x1F400] =	vst v63  }
0x57: {  	_ =	swait.ge @!p0 [sflag:s1], $0x6400  }
0x58: {  	[sflag:s1] =	ssyncset.done @!p0 $0x0  }
0x59: {  	s12 =	sadd.s32 $0x258, s8;
	[sflag:s1] =	ssyncadd.s32 @!p0 $0xFFFF9C00  }
0x5a: {  	[tilespmem:s18], [sflag:$0x4] =	stream.indirect.gather [hbm4b:s3+s7], $0x80, s12, s7, $0xb8;
	[tilespmem:$0x1F400] =	vst v63  }
0x5b: {  	s15 =	sadd.s32 $0x2D8, s8;
	s13 =	rddreg [dreg:$0x4]  }
0x5c: {  	[tilespmem:s13], [sflag:$0x4] =	stream.indirect.gather [hbm4b:s3+s11], $0x80, s15, s11, $0xb8;
	[tilespmem:$0x1F400] =	vst v63  }
0x5d: {  	p2 =	seq.s32 s29, $0x0;
	_ =	swait.ge [sflag:s19], $0x6400  }
0x5e: {  	p0 =	por p2, p2;
	p2 =	seq.s32 s28, $0x18380;
	[sflag:s19] =	ssyncset.done $0x0  }
0x5f: {  	s16 =	sadd.s32 $0xC80, s26;
	s1 =	simm.s32 @p2 $0x3;
	[sflag:s19] =	ssyncadd.s32 $0xFFFF9C00  }
0x60: {  	[hbm4b:s16+s2] =	stream.linear.scatter [tilespmem:s14], [sflag:$0x6], $0x6400, $0x38;
	[tilespmem:$0x1F400] =	vst v63  }
0x61: {  	s0 =	smov.u32 s29;
	_ =	swait.ge @p2 [sflag:s1], $0x6400  }
0x62: {  	s15 =	simm.s32 @p2 $0x12C00;
	s16 =	simm.s32 @!p2 $0x5;
	[sflag:s1] =	ssyncset.done @p2 $0x0  }
0x63: {  	s31 =	rddreg [dreg:$0x5];
	[sflag:s1] =	ssyncadd.s32 @p2 $0xFFFF9C00;
	s1 =	simm.s32 @p2 $0x0  }
0x64: {  	[hbm4b:s31+s1] =	stream.linear.scatter @p2 [tilespmem:s15], [sflag:$0x7], $0x6400, $0x38;
	[tilespmem:$0x1F400] =	vst v63  }
0x65: {  	s8 =	sshra.s32 @!p2 s28, $0x2;
	s28 =	smov.u32 s0;
	_ =	swait.ge @!p2 [sflag:s16], $0x6400  }
0x66: {  	s0 =	sadd.s32 @!p2 $0x320, s8;
	s12 =	sadd.s32 @!p2 $0x3A0, s8;
	[sflag:s16] =	ssyncset.done @!p2 $0x0  }
0x67: {  	s1 =	simm.s32 @!p2 $0x80;
	s15 =	simm.s32 @!p2 $0x6400;
	[sflag:s16] =	ssyncadd.s32 @!p2 $0xFFFF9C00  }
0x68: {  	[tilespmem:s15], [sflag:$0x1] =	stream.indirect.gather @!p2 [hbm4b:s3+s1], $0x80, s0, s1, $0xb8;
	[tilespmem:$0x1F400] =	vst v63  }
0x69: {  	s31 =	simm.s32 @!p2 $0xA400;
	s16 =	simm.s32 @!p2 $0x48;
	s0 =	simm.s32 @!p2 $0x3  }
0x6a: {  	[tilespmem:s31], [sflag:$0x1] =	stream.indirect.gather @!p2 [hbm4b:s3+s16], $0x80, s12, s16, $0xb8;
	[tilespmem:$0x1F400] =	vst v63  }
0x6b: {  	_ =	swait.ge @!p2 [sflag:s0], $0x6400  }
0x6c: {  	s15 =	sadd.s32 @!p2 $0x1900, s26;
	s12 =	simm.s32 @!p2 $0x12C00;
	[sflag:s0] =	ssyncset.done @!p2 $0x0  }
0x6d: {  	s31 =	simm.s32 @!p2 $0x0;
	[sflag:s0] =	ssyncadd.s32 @!p2 $0xFFFF9C00;
	s0 =	simm.s32 @!p2 $0x6  }
0x6e: {  	[hbm4b:s15+s31] =	stream.linear.scatter @!p2 [tilespmem:s12], [sflag:$0x7], $0x6400, $0x38;
	[tilespmem:$0x1F400] =	vst v63  }
0x6f: {  	s29 =	sadd.s32 $0xC80, s29;
	_ =	swait.ge @!p2 [sflag:s0], $0x6400  }
0x70: {  	p1 =	sne.s32 s29, $0x19000;
	[sflag:s0] =	ssyncset.done @!p2 $0x0  }
0x71: {  	s13 =	sadd.s32 @!p2 $0x3E8, s8;
	s12 =	simm.s32 @!p2 $0xC800;
	[sflag:s0] =	ssyncadd.s32 @!p2 $0xFFFF9C00  }
0x72: {  	[tilespmem:s12], [sflag:$0x2] =	stream.indirect.gather @!p2 [hbm4b:s3+s1], $0x80, s13, s1, $0xb8;
	[tilespmem:$0x1F400] =	vst v63  }
.Ltmp0:
0x73: {  	_ = 	snop;
	(pc) =	sbr.rel @p1 .LBB2_2-.Ltmp0, $4  }
0x74: {  	s8 =	sadd.s32 @!p2 $0x468, s8;
	s0 =	simm.s32 @!p2 $0x10800  }
0x75: {  	[tilespmem:s0], [sflag:$0x2] =	stream.indirect.gather @!p2 [hbm4b:s3+s16], $0x80, s8, s16, $0xb8;
	[tilespmem:$0x1F400] =	vst v63  }
0x76: {  	s30 =	smov.u32 s26;
	s26 =	sadd.s32 $0x3200, s26;
	_ =	swait.ge [sflag:s20], $0x6400  }
0x77: {  	s31 =	simm.s32 @!p0 $0x7;
	s1 =	sadd.s32 $0x2580, s30;
	[sflag:s20] =	ssyncset.done $0x0  }
0x78: {  	[sflag:s20] =	ssyncadd.s32 $0xFFFF9C00  }
0x79: {  	[hbm4b:s1+s2] =	stream.linear.scatter [tilespmem:s18], [sflag:$0x8], $0x6400, $0x38;
	[tilespmem:$0x1F400] =	vst v63  }
0x7a: {  	_ =	swait.ge @!p0 [sflag:s31], $0x6400  }
0x7b: {  	s30 =	sshra.s32 s28, $0x2;
	[sflag:s31] =	ssyncset.done @!p0 $0x0  }
0x7c: {  	s8 =	sadd.s32 $0x190, s30;
	s0 =	rddreg [dreg:$0x2];
	[sflag:s31] =	ssyncadd.s32 @!p0 $0xFFFF9C00  }
0x7d: {  	[tilespmem:s0], [sflag:$0x3] =	stream.indirect.gather [hbm4b:s3+s7], $0x80, s8, s7, $0xb8;
	[tilespmem:$0x1F400] =	vst v63  }
0x7e: {  	s13 =	sadd.s32 $0x210, s30;
	s12 =	rddreg [dreg:$0x3]  }
0x7f: {  	[tilespmem:s12], [sflag:$0x3] =	stream.indirect.gather [hbm4b:s3+s11], $0x80, s13, s11, $0xb8;
	[tilespmem:$0x1F400] =	vst v63  }
0x80: {  	_ =	swait.ge [sflag:s17], $0x6400  }
0x81: {  	[sflag:s17] =	ssyncset.done $0x0  }
0x82: {  	s0 =	simm.s32 @!p0 $0x8;
	[sflag:s17] =	ssyncadd.s32 $0xFFFF9C00  }
0x83: {  	[hbm4b:s26+s2] =	stream.linear.scatter [tilespmem:s10], [sflag:$0x5], $0x6400, $0x38;
	[tilespmem:$0x1F400] =	vst v63  }
0x84: {  	_ =	swait.ge @!p0 [sflag:s0], $0x6400  }
0x85: {  	[sflag:s0] =	ssyncset.done @!p0 $0x0  }
0x86: {  	s15 =	sadd.s32 $0x258, s30;
	[sflag:s0] =	ssyncadd.s32 @!p0 $0xFFFF9C00  }
0x87: {  	[tilespmem:s18], [sflag:$0x4] =	stream.indirect.gather [hbm4b:s3+s7], $0x80, s15, s7, $0xb8;
	[tilespmem:$0x1F400] =	vst v63  }
0x88: {  	s29 =	sadd.s32 $0x2D8, s30;
	s16 =	rddreg [dreg:$0x4]  }
0x89: {  	[tilespmem:s16], [sflag:$0x4] =	stream.indirect.gather [hbm4b:s3+s11], $0x80, s29, s11, $0xb8;
	[tilespmem:$0x1F400] =	vst v63  }
0x8a: {  	_ =	swait.ge [sflag:s19], $0x6400  }
0x8b: {  	p0 =	seq.s32 s28, $0x18380;
	[sflag:s19] =	ssyncset.done $0x0  }
0x8c: {  	s30 =	sadd.s32 $0xC80, s26;
	s0 =	simm.s32 @p0 $0x3;
	[sflag:s19] =	ssyncadd.s32 $0xFFFF9C00  }
0x8d: {  	[hbm4b:s30+s2] =	stream.linear.scatter [tilespmem:s14], [sflag:$0x6], $0x6400, $0x38;
	[tilespmem:$0x1F400] =	vst v63  }
0x8e: {  	_ =	swait.ge @p0 [sflag:s0], $0x6400  }
0x8f: {  	s8 =	simm.s32 @p0 $0x12C00;
	s12 =	simm.s32 @!p0 $0x5;
	[sflag:s0] =	ssyncset.done @p0 $0x0  }
0x90: {  	s1 =	rddreg [dreg:$0x5];
	[sflag:s0] =	ssyncadd.s32 @p0 $0xFFFF9C00;
	s0 =	simm.s32 @p0 $0x0  }
0x91: {  	[hbm4b:s1+s0] =	stream.linear.scatter @p0 [tilespmem:s8], [sflag:$0x7], $0x6400, $0x38;
	[tilespmem:$0x1F400] =	vst v63  }
0x92: {  	s13 =	simm.s32 @!p0 $0x80;
	_ =	swait.ge @!p0 [sflag:s12], $0x6400  }
0x93: {  	s15 =	simm.s32 @!p0 $0x6400;
	s0 =	sshra.s32 @!p0 s28, $0x2;
	[sflag:s12] =	ssyncset.done @!p0 $0x0  }
0x94: {  	s1 =	sadd.s32 @!p0 $0x320, s0;
	s8 =	sadd.s32 @!p0 $0x3A0, s0;
	[sflag:s12] =	ssyncadd.s32 @!p0 $0xFFFF9C00  }
0x95: {  	[tilespmem:s15], [sflag:$0x1] =	stream.indirect.gather @!p0 [hbm4b:s3+s13], $0x80, s1, s13, $0xb8;
	[tilespmem:$0x1F400] =	vst v63  }
0x96: {  	s12 =	simm.s32 @!p0 $0xA400;
	s1 =	simm.s32 @!p0 $0x48;
	s15 =	simm.s32 @!p0 $0x3  }
0x97: {  	[tilespmem:s12], [sflag:$0x1] =	stream.indirect.gather @!p0 [hbm4b:s3+s1], $0x80, s8, s1, $0xb8;
	[tilespmem:$0x1F400] =	vst v63  }
0x98: {  	_ =	swait.ge @!p0 [sflag:s15], $0x6400  }
0x99: {  	s16 =	simm.s32 @!p0 $0x0;
	s8 =	simm.s32 @!p0 $0x12C00;
	[sflag:s15] =	ssyncset.done @!p0 $0x0  }
0x9a: {  	s12 =	sadd.s32 @!p0 $0x1900, s26;
	[sflag:s15] =	ssyncadd.s32 @!p0 $0xFFFF9C00;
	s15 =	simm.s32 @!p0 $0x6  }
0x9b: {  	[hbm4b:s12+s16] =	stream.linear.scatter @!p0 [tilespmem:s8], [sflag:$0x7], $0x6400, $0x38;
	[tilespmem:$0x1F400] =	vst v63  }
0x9c: {  	_ =	swait.ge @!p0 [sflag:s15], $0x6400  }
0x9d: {  	[sflag:s15] =	ssyncset.done @!p0 $0x0  }
0x9e: {  	s8 =	sadd.s32 @!p0 $0x3E8, s0;
	s12 =	simm.s32 @!p0 $0xC800;
	[sflag:s15] =	ssyncadd.s32 @!p0 $0xFFFF9C00  }
0x9f: {  	[tilespmem:s12], [sflag:$0x2] =	stream.indirect.gather @!p0 [hbm4b:s3+s13], $0x80, s8, s13, $0xb8;
	[tilespmem:$0x1F400] =	vst v63  }
0xa0: {  	s0 =	sadd.s32 @!p0 $0x468, s0;
	s8 =	simm.s32 @!p0 $0x10800  }
0xa1: {  	[tilespmem:s8], [sflag:$0x2] =	stream.indirect.gather @!p0 [hbm4b:s3+s1], $0x80, s0, s1, $0xb8;
	[tilespmem:$0x1F400] =	vst v63  }
0xa2: {  	_ =	swait.ge [sflag:s20], $0x6400  }
0xa3: {  	[sflag:s20] =	ssyncset.done $0x0  }
0xa4: {  	s31 =	sadd.s32 $0x2580, s26;
	[sflag:s20] =	ssyncadd.s32 $0xFFFF9C00  }
0xa5: {  	[hbm4b:s31+s2] =	stream.linear.scatter [tilespmem:s18], [sflag:$0x8], $0x6400, $0x38;
	[tilespmem:$0x1F400] =	vst v63  }
0xa6: {  	_ =	swait.ge [sflag:s21], $0x6400  }
0xa7: {  	[sflag:s21] =	ssyncset.done $0x0  }
0xa8: {  	[sflag:s21] =	ssyncadd.s32 $0xFFFF9C00  }
0xa9: {  	_ =	swait.ge [sflag:s22], $0x6400  }
0xaa: {  	[sflag:s22] =	ssyncset.done $0x0  }
0xab: {  	s25 =	sadd.s32 $0x1, s25;
	[sflag:s22] =	ssyncadd.s32 $0xFFFF9C00  }
0xac: {  	p0 =	sne.s32 s25, s5;
	_ =	swait.ge [sflag:s23], $0x6400  }
.Ltmp1:
0xad: {  	[sflag:s23] =	ssyncset.done $0x0;
	(pc) =	sbr.rel @p0 .LBB2_1-.Ltmp1, $4  }
0xae: {  	[sflag:s23] =	ssyncadd.s32 $0xFFFF9C00  }
0xaf: {  	_ =	swait.ge [sflag:s24], $0x6400  }
0xb0: {  	[sflag:s24] =	ssyncset.done $0x0  }
0xb1: {  	[sflag:s24] =	ssyncadd.s32 $0xFFFF9C00  }
0xb2: {  	_ =	sfence.sel $0x180000  }
0xb3: {  	[bflag:$0x0] =	sbarrier.arrive $0xFFFF  }
0xb4: {  	_ =	strace $0x90000047  }
0xb5: {  	s0 =	stileid.u32;
	[bflag:$0x2] =	sbarrier.arrive $0xFFFF  }
0xb6: {  	p0 =	sne.s32 s0, $0x0;
	s0 =	rddreg [dreg:$0x1]  }
0xb7: {  	s0 =	sadd.s32 @!p0 $0x100000, s0  }
0xb8: {  	[sflag:s0] =	ssyncadd.tile.s32 @!p0 $0x1;
	_ =	shalt  }
.Lfunc_end2:
_tile_overlayer_lowered:
.L_overlay_start_2:
0xb9: {  	(tag) =	ssettag $0x2  }
0xba: {  	s0 =	rddreg [dreg:$0x0];
	s2 =	stileid.u32  }
0xbb: {  	s1 =	rddreg [dreg:$0x1];
	p0 =	sne.s32 s2, $0x0  }
0xbc: {  	s3 =	rddreg [dreg:$0x2];
	[bflag:$0x3] =	sbarrier.arrive $0xFFFF;
	s2 =	simm.s32 @!p0 $0x1C09  }
0xbd: {  	[timem:s3], [sflag:s2] =	dma.local @!p0 [hbm:s0], s1  }
0xbe: {  	s0 =	simm.s32 @!p0 $0x9  }
0xbf: {  	_ =	swait.ge @!p0 [sflag:s0], s1  }
0xc0: {  	s1 =	ssub.s32 @!p0 $0x0, s1;
	[sflag:s0] =	ssyncset.done @!p0 $0x0  }
0xc1: {  	[sflag:s0] =	ssyncadd.s32 @!p0 s1  }
0xc2: {  	[bflag:$0x3] =	sbarrier.arrive $0xFFFF  }
0xc3: {  	_ =	shalt  }

// kernel: sparse-core-data-format-call.cloned.1.call-start
scs
called_computation_lowered:
.L_overlay_start_0:
0x0: {  	s2 =	sld [smem:$0x3FD9]  }
0x1: {  	s3 =	sld [smem:$0x3FFE];
	_ =	sdelay $0x1  }
0x2: {  	s1 =	srdreg.scid  }
0x3: {  	s0 =	sand.u32 $0x1, s1  }
0x4: {  	s18 =	sshll.u32 s0, $0xA;
	s2 =	sadd.s32 s3, s2  }
0x5: {  	s2 =	sadd.s32 s2, s18  }
0x6: {  	[smem:$0x3FC6] =	sst s2  }
0x7: {  	_ = 	snop  }
0x8: {  	s2 =	sld [smem:$0x3FD0];
	(tm) =	ssettm $0x1  }
0x9: {  	s19 =	sld [smem:$0x3FFB];
	_ =	sdelay $0x3  }
0xa: {  	_ =	strace s19  }
0xb: {  	s3 =	sld [smem:$0x3FFC];
	_ =	sdelay $0x3  }
0xc: {  	_ =	strace s3  }
0xd: {  	s3 =	sld [smem:$0x3FFD];
	_ =	sdelay $0x3  }
0xe: {  	_ =	strace s3  }
0xf: {  	_ =	strace $0x8FFFFFFF  }
0x10: {  	s20 =	sld [smem:$0x3FDB];
	_ =	sdelay $0x1  }
0x11: {  	s4 =	simm.s32 $_scs_section_size  }
0x12: {  	s5 =	simm.s32 $_size__tile_overlayer_lowered;
	s6 =	simm.s32 $_tile_overlayer_lowered  }
0x13: {  	s23 =	simm.s32 $0x1BFF;
	s22 =	sshll.u32 s6, $0x1;
	s3 =	sadd.s32 s4, s20  }
0x14: {  	s7 =	simm.s32 $0x0;
	s21 =	sshll.u32 s5, $0x1;
	s5 =	sadd.s32 s22, s3  }
0x15: {  	[timem:s7], [sflag:s23] =	dma.local [hbm:s5], s21  }
0x16: {  	_ =	swait.ge [sflag:s23], s21  }
0x17: {  	s4 =	ssub.s32 $0x0, s21;
	[sflag:s23] =	ssyncset.done $0x0  }
0x18: {  	[sflag:s23] =	ssyncadd.s32 s4;
	_ =	sdelay $0x1  }
0x19: {  	s24 =	simm.s32 $0x1B8B  }
0x1a: {  	_ =	swait.ge [sflag:s24], $0x1  }
0x1b: {  	[sflag:s24] =	ssyncset.done $0x0  }
0x1c: {  	s26 =	simm.s32 $0x1B8E;
	s25 =	sld [smem:$0x3FFE];
	[sflag:s24] =	ssyncadd.s32 $0xFFFFFFFF  }
0x1d: {  	s27 =	simm.s32 $execute0_lowered;
	[smem:$0x3FD2] =	sst s26  }
0x1e: {  	s5 =	sshll.u32 s27, $0x1;
	_ =	strace $0x80000049;
	[dreg:$0x1] =	wrdreg $0xFFFFFFFF  }
0x1f: {  	s28 =	simm.s32 $_size_execute0_lowered;
	s3 =	sadd.s32 s3, s5;
	[dreg:$0x0] =	wrdreg $0x0  }
0x20: {  	s5 =	sshll.u32 s28, $0x1;
	[dreg:$0x2] =	wrdreg s3  }
0x21: {  	[dreg:$0x3] =	wrdreg s5  }
0x22: {  	[dreg:$0x4] =	wrdreg $0xC0  }
0x23: {  	_ =	task [dreg:s7], $0x5FFFF  }
0x24: {  	[dreg:$0x1] =	wrdreg $0xFFFFFFFF  }
0x25: {  	[dreg:$0x0] =	wrdreg $0x60  }
0x26: {  	[dreg:$0x2] =	wrdreg s25  }
0x27: {  	[dreg:$0x3] =	wrdreg s2  }
0x28: {  	[dreg:$0x4] =	wrdreg $0x9  }
0x29: {  	_ =	task.clear_ibuf [dreg:s7], $0x5FFFF;
	_ =	strace $0x90000049  }
0x2a: {  	s29 =	simm.s32 $0x9;
	_ =	strace $0x8000004B  }
0x2b: {  	_ =	swait.ge [sflag:s29], $0x1  }
0x2c: {  	[sflag:s29] =	ssyncadd.s32 $0xFFFFFFFF  }
0x2d: {  	_ =	strace $0x9000004B  }
0x2e: {  	_ =	sfence  }
0x2f: {  	s30 =	sld [smem:$0x0];
	_ =	sdelay $0x2  }
0x30: {  	s31 =	sshll.u32 s1, $0xD;
	s1 =	sshrl.u32 s1, $0x2  }
0x31: {  	s3 =	sand.u32 $0x4000, s31;
	s1 =	sadd.s32 s1, s30  }
0x32: {  	s0 =	sor.u32 s3, s0;
	s1 =	sshll.u32 s1, $0x11  }
0x33: {  	s0 =	sor.u32 s1, s0  }
0x34: {  	s0 =	sadd.s32 $0x8F2B, s0  }
0x35: {  	[sflag:s0] =	ssyncadd.remote.s32 $0x1  }
0x36: {  	_ =	sfence.sel $0xFFFF  }
0x37: {  	[dreg:$0x0] =	wrdreg $0xFFFFFFFF;
	(pc) =	sbr.abs _section_cstart, $3  }
0x38: {  	[dreg:$0x1] =	wrdreg $0xFFFFFFFF  }
0x39: {  	_ =	task.clear_ibuf [dreg:s7], $0x2FFFF;
	_ =	strace $0x9FFFFFFF  }
0x3a: {  	(tm) =	ssettm $0x7FFFFFFF  }
0x3b: {  	_ =	shalt  }
tec
execute0_lowered:
.L_overlay_start_1:
0x0: {  	(tag) =	ssettag $0x1  }
0x1: {  	s0 =	srdreg.scid  }
0x2: {  	s1 =	sshll.u32 s0, $0x4  }
0x3: {  	s0 =	stileid.u32;
	s1 =	sand.u32 $0x10, s1  }
0x4: {  	s1 =	sor.u32 s0, s1  }
0x5: {  	s6 =	rddreg [dreg:$0x0];
	s4 =	simm.s32 $0x1;
	s2 =	sshll.u32 s1, $0x7  }
0x6: {  	s7 =	simm.s32 $0x2;
	s12 =	simm.s32 $0x0;
	s1 =	ssub.s32 $0x1000, s2  }
0x7: {  	s8 =	simm.s32 $0x8000;
	s13 =	simm.s32 $0x0;
	s3 =	sand.u32 $0xF80, s1  }
0x8: {  	s9 =	simm.s32 $0x0;
	s5 =	sshrl.u32 s1, $0xC;
	p0 =	sne.s32 s3, $0x0  }
.Ltmp0:
0x9: {  	s1 =	rddreg [dreg:$0x2];
	s4 =	simm.s32 @!p0 $0x0;
	(pc) =	sbr.rel .LBB1_1-.Ltmp0, $4  }
0xa: {  	s11 =	simm.s32 $0x0;
	s3 =	rddreg [dreg:$0x1];
	s5 =	sadd.s32 s4, s5  }
0xb: {  	_ =	strace $0x8000004A;
	s4 =	simm.s32 $0x1;
	s5 =	smul.u32 $0xC8, s5  }
0xc: {  	s6 =	sadd.s32 $0x1A0200, s6;
	s10 =	smov.u32 s2;
	[sflag:s4] =	ssyncpa.u1 $0x0  }
0xd: {  	p0 =	por $0x0, $0x0;
	[sflag:s7] =	ssyncpa.u1 $0x0;
	s7 =	sor.u32 $0x1, s5  }
.LBB1_4:
0xe: {  	s16 =	sshll.u32 s13, $0x3;
	s17 =	sand.u32 $0x78, s13  }
0xf: {  	s30 =	sand.u32 $0x7E00, s13;
	s12 =	sshll.u32 s12, $0xF;
	s16 =	sand.u32 $0xC00, s16  }
0x10: {  	[tilespmem:s15+$0x810 ss:$0x81] =	vst.msk $0xffff, v2;
	s31 =	sand.u32 $0x7, s13;
	s16 =	sor.u32 s17, s16;
	s17 =	sadd.s32 s3, s30  }
0x11: {  	[tilespmem:s15+$0x1020 ss:$0x81] =	vst.msk $0xffff, v0;
	s13 =	sshll.u32 s31, $0x12;
	s12 =	sadd.s32 s12, s17;
	s16 =	sshrl.u32 s16, $0x3  }
0x12: {  	[tilespmem:s15+$0x0 ss:$0x81] =	vst.msk $0xffff, v1;
	s13 =	sor.u32 $0x400, s13;
	s12 =	sadd.s32 s16, s12  }
0x13: {  	[hbm4b:s12+s13] =	stream.strided.scatter [tilespmem:s14], [sflag:$0x2], $0x2000, s8, s13, $0x20;
	[tilespmem:$0x8080] =	vst v63  }
.LBB1_5:
0x14: {  	s14 =	sadd.s32 $0x1, s9  }
0x15: {  	s12 =	sadd.s32 $0x1000, s10;
	s16 =	smov.u32 s10;
	p2 =	sgt.s32 s14, $0xC7  }
0x16: {  	s16 =	smov.u32 @p2 s12  }
0x17: {  	s14 =	simm.s32 @p2 $0x0;
	p2 =	sgt.s32 s16, $0xFFF  }
0x18: {  	s16 =	smov.u32 @p2 s2;
	p2 =	sne.s32 s11, s7  }
.Ltmp1:
0x19: {  	p1 =	slt.u32 s11, $0x2;
	(pc) =	sbr.rel @!p2 .LBB1_6-.Ltmp1, $4  }
0x1a: {  	s15 =	simm.s32 @!p1 $0x2  }
0x1b: {  	s13 =	smov.u32 s10;
	p0 =	por !p0, !p0;
	_ =	swait.ge @!p1 [sflag:s15], $0x2000  }
0x1c: {  	s12 =	smov.u32 s9;
	[sflag:s15] =	ssyncset.done @!p1 $0x0;
	s9 =	smov.u32 s14  }
0x1d: {  	s11 =	sadd.s32 $0x1, s11;
	[sflag:s15] =	ssyncadd.s32 @!p1 $0xFFFFE000;
	s10 =	smov.u32 s16  }
.LBB1_1:
0x1e: {  	p1 =	sge.u32 s11, s5  }
0x1f: {  	s14 =	sand.u32 @!p1 $0x1FFFFFF, s9  }
0x20: {  	s15 =	smulhi.u32 @!p1 $0x147AE15, s14;
	_ =	sdelay $0x1  }
0x21: {  	s15 =	smul.u32 @!p1 $0xC8, s15  }
0x22: {  	s16 =	sxor.u32 @!p1 $0xFFFFFFFF, s11;
	s17 =	smul.u32 @!p1 $0xC80, s10  }
0x23: {  	s31 =	sadd.s32 $0xFFFFFFFF, s11;
	s16 =	sshll.u32 @!p1 s16, $0xD;
	s14 =	ssub.s32 @!p1 s14, s15  }
0x24: {  	s15 =	sand.u32 @!p1 $0x2000, s16;
	s16 =	sadd.s32 @!p1 s6, s17;
	s14 =	sshll.u32 @!p1 s14, $0x4  }
0x25: {  	s17 =	simm.s32 @!p1 $0x6400;
	s14 =	sadd.s32 @!p1 s14, s16;
	s16 =	simm.s32 @!p1 $0x40  }
0x26: {  	[tilespmem:s15], [sflag:$0x1] =	stream.strided.gather @!p1 [hbm4b:s14+s16], $0x2000, s17, s16, $0x38;
	[tilespmem:$0x8080] =	vst v63  }
0x27: {  	p1 =	sge.u32 s31, s5  }
.Ltmp2:
0x28: {  	_ = 	snop;
	(pc) =	sbr.rel @p1 .LBB1_5-.Ltmp2, $1  }
0x29: {  	_ =	sdelay $0x3  }
0x2a: {  	s14 =	simm.s32 $0x1  }
0x2b: {  	_ =	swait.ge [sflag:s4], $0x2000;
	s14 =	simm.s32 @!p0 $0x0  }
0x2c: {  	[sflag:s4] =	ssyncset.done $0x0;
	s15 =	sshll.u32 s14, $0xD  }
0x2d: {  	[sflag:s4] =	ssyncadd.s32 $0xFFFFE000;
	s18 =	sor.u32 $0x20, s15  }
0x2e: {  	s14 =	smul.u32 $0x8100, s14;
	v3 =	vld [tilespmem:s18+$0x10]  }
0x2f: {  	s30 =	sand.u32 $0x1, s11;
	v2 =	vld [tilespmem:s18+$0xFFFFFFF0]  }
0x30: {  	s15 =	smul.u32 $0x8100, s30;
	s14 =	sshrl.u32 s14, $0x2;
	v0 =	vld [tilespmem:s18+$0x0]  }
0x31: {  	v1 =	vld [tilespmem:s18+$0xFFFFFFE0];
	s16 =	sor.u32 $0x4000, s14  }
0x32: {  	s31 =	sshrl.u32 s15, $0x2;
	s15 =	sadd.s32 $0x0, s16  }
0x33: {  	s17 =	simm.s32 $0x4;
	s18 =	sadd.s32 $0x40, s18;
	s14 =	sor.u32 $0x4000, s31;
	[tilespmem:s15+$0x1830 ss:$0x81] =	vst.msk $0xffff, v3  }
.LBB1_3:
0x34: {  	v3 =	vld [tilespmem:s18+$0x10];
	p1 =	sne.s32 s17, $0x1FC;
	[tilespmem:s15+$0x810 ss:$0x81] =	vst.msk $0xffff, v2;
	s19 =	smov.u32 s17;
	s17 =	sadd.s32 $0x4, s17  }
.Ltmp3:
0x35: {  	v2 =	vld [tilespmem:s18+$0xFFFFFFF0];
	[tilespmem:s15+$0x1020 ss:$0x81] =	vst.msk $0xffff, v0;
	(pc) =	sbr.rel @p1 .LBB1_3-.Ltmp3, $4  }
0x36: {  	v0 =	vld [tilespmem:s18+$0x0];
	[tilespmem:s15+$0x0 ss:$0x81] =	vst.msk $0xffff, v1  }
0x37: {  	s15 =	sshra.s32 s19, $0x2;
	v1 =	vld [tilespmem:s18+$0xFFFFFFE0]  }
0x38: {  	s15 =	sadd.s32 s15, s16  }
0x39: {  	s18 =	sadd.s32 $0x40, s18;
	[tilespmem:s15+$0x1830 ss:$0x81] =	vst.msk $0xffff, v3  }
.Ltmp4:
0x3a: {  	_ = 	snop;
	(pc) =	sbr.rel .LBB1_4-.Ltmp4, $1  }
0x3b: {  	_ =	sdelay $0x3  }
.LBB1_6:
0x3c: {  	_ =	sfence.sel $0x180000  }
0x3d: {  	s2 =	simm.s32 $0x1;
	[bflag:$0x0] =	sbarrier.arrive $0xFFFF  }
0x3e: {  	s31 =	simm.s32 $0x2;
	[sflag:s2] =	ssyncpa.u1 $0x1  }
0x3f: {  	[sflag:s31] =	ssyncpa.u1 $0x1  }
0x40: {  	p0 =	sne.s32 s0, $0x0;
	_ =	strace $0x9000004A  }
0x41: {  	s0 =	sadd.s32 @!p0 $0x100000, s1;
	[bflag:$0x2] =	sbarrier.arrive $0xFFFF  }
0x42: {  	[sflag:s0] =	ssyncadd.tile.s32 @!p0 $0x1;
	_ =	shalt  }
.Lfunc_end1:
_tile_overlayer_lowered:
.L_overlay_start_2:
0x43: {  	(tag) =	ssettag $0x2  }
0x44: {  	s0 =	rddreg [dreg:$0x0];
	s2 =	stileid.u32  }
0x45: {  	s1 =	rddreg [dreg:$0x1];
	p0 =	sne.s32 s2, $0x0  }
0x46: {  	s3 =	rddreg [dreg:$0x2];
	[bflag:$0x3] =	sbarrier.arrive $0xFFFF;
	s2 =	simm.s32 @!p0 $0x1C01  }
0x47: {  	[timem:s3], [sflag:s2] =	dma.local @!p0 [hbm:s0], s1  }
0x48: {  	s0 =	simm.s32 @!p0 $0x1  }
0x49: {  	_ =	swait.ge @!p0 [sflag:s0], s1  }
0x4a: {  	s1 =	ssub.s32 @!p0 $0x0, s1;
	[sflag:s0] =	ssyncset.done @!p0 $0x0  }
0x4b: {  	[sflag:s0] =	ssyncadd.s32 @!p0 s1  }
0x4c: {  	[bflag:$0x3] =	sbarrier.arrive $0xFFFF  }
0x4d: {  	_ =	shalt  }

</sc_bundles>
